<compile_context>
chip_gen: v7x
topology: tpu7x:2x2x1
jax: 0.10.2.dev20260603
libtpu: 0.0.44.dev20260713+nightly
codegen_flags: <defaults>
</compile_context>

<pallas_src>
import functools

import jax
import jax.numpy as jnp
from jax import lax
from jax.experimental import pallas as pl
from jax.experimental.pallas import tpu as pltpu
from jax.experimental.pallas import tpu_sc as plsc

_WORLD = 8
_IG = 128
_G = 10
_KC = _IG * _G


def kernel(x, emb_weight):
    B, L = x.shape
    E, D = emb_weight.shape
    C = D * _WORLD
    BL = B * L

    x2 = x.reshape(BL // _IG, _IG)
    tab = jnp.tile(emb_weight, (1, _WORLD))

    info = plsc.get_sparse_core_info()
    NC, NS = info.num_cores, info.num_subcores
    NW = NC * NS
    n_w = BL // NW
    n_chunks = n_w // _KC
    ng_w = n_w // _IG

    mesh = plsc.VectorSubcoreMesh(core_axis_name="c", subcore_axis_name="s")

    @functools.partial(
        pl.kernel,
        out_type=jax.ShapeDtypeStruct((BL, C), jnp.float32),
        mesh=mesh,
        compiler_params=pltpu.CompilerParams(
            needs_layout_passes=False, use_tc_tiling_on_sc=False),
        scratch_types=[
            pltpu.VMEM((_G, _IG), jnp.int32),
            pltpu.VMEM((_G, _IG), jnp.int32),
            pltpu.VMEM((_KC, C), jnp.float32),
            pltpu.VMEM((_KC, C), jnp.float32),
            pltpu.SemaphoreType.DMA,
            pltpu.SemaphoreType.DMA,
            pltpu.SemaphoreType.DMA,
        ],
    )
    def sc_kernel(x_hbm, tab_hbm, out_hbm, idx0, idx1, st0, st1,
                  sem0, sem1, gsem):
        wid = lax.axis_index("s") * NC + lax.axis_index("c")
        wbase = wid * n_w
        gbase = wid * ng_w
        idxs = (idx0, idx1)
        sts = (st0, st1)
        sems = (sem0, sem1)

        def fill(chunk, idx_v, st):
            pltpu.sync_copy(x_hbm.at[pl.ds(gbase + chunk * _G, _G)], idx_v)
            copies = [
                pltpu.make_async_copy(
                    tab_hbm.at[idx_v.at[g]],
                    st.at[pl.ds(g * _IG, _IG)],
                    gsem)
                for g in range(_G)
            ]
            for cp in copies:
                cp.start()
            for cp in copies:
                cp.wait()

        def fire(chunk, st, sem):
            row0 = wbase + chunk * _KC
            pltpu.make_async_copy(st, out_hbm.at[pl.ds(row0, _KC)], sem).start()

        def drain(chunk, st, sem):
            row0 = wbase + chunk * _KC
            pltpu.make_async_copy(st, out_hbm.at[pl.ds(row0, _KC)], sem).wait()

        for b in range(2):
            fill(b, idxs[b], sts[b])
            fire(b, sts[b], sems[b])

        def outer(i, carry):
            k0 = 2 * i
            for b in range(2):
                ch = k0 + b
                drain(ch, sts[b], sems[b])
                fill(ch + 2, idxs[b], sts[b])
                fire(ch + 2, sts[b], sems[b])
            return carry

        lax.fori_loop(0, (n_chunks - 2) // 2, outer, 0)
        for b in range(2):
            drain(n_chunks - 2 + b, sts[b], sems[b])

    out = sc_kernel(x2, tab)
    return out.reshape(B, L, C)

# --- scband reference (transcript-rebuilt; emitter-appended) ---
"""Pipeline reference for scband-model-11879879541185 (READ-ONLY COPY).

The authoritative reference and input builder live on the scoring server;
editing this copy changes nothing except your own understanding.
"""

import jax, jax.numpy as jnp
import numpy as np

WORLD_SIZE = 8

def setup_inputs(seed: int = 0) -> dict:
    key = jax.random.key(seed)
    k1, k2 = jax.random.split(key)
    x = jax.random.randint(k1, (16384, 200), 0, 4, dtype=jnp.int32)
    emb_weight = jax.random.normal(k2, (4, 4), dtype=jnp.float32)
    return {"x": x, "emb_weight": emb_weight}

def reference(x, emb_weight):
    # y = self.emb(x)
    y = jnp.take(emb_weight, x, axis=0)  # [B, L, 4]
    # all_gather_tensor(y, 0, ranks): each rank holds identical y in this
    # single-process simulation, so gather concatenates WORLD_SIZE copies along dim 0
    res = jnp.concatenate([y] * WORLD_SIZE, axis=0)  # [W*B, L, 4]
    # torch.cat(torch.chunk(res, world_size, dim=0), dim=last_dim)
    chunks = jnp.split(res, WORLD_SIZE, axis=0)
    out = jnp.concatenate(chunks, axis=y.ndim - 1)  # [B, L, 4*W]
    return out

if __name__ == "__main__":
    import jax
    _d = setup_inputs()
    print(jax.jit(kernel)(*tuple(_d.values())))

</pallas_src>

<mosaic_0001>
#map = affine_map<(d0, d1) -> (0, 0)>
module attributes {stable_mosaic.version = 14 : i64} {
  func.func @sc_kernel(%arg0: i32, %arg1: i32, %arg2: memref<25600x128xi32, #tpu.memory_space<hbm>>, %arg3: memref<4x32xf32, #tpu.memory_space<hbm>>, %arg4: memref<3276800x32xf32, #tpu.memory_space<hbm>>, %arg5: memref<10x128xi32, #tpu.memory_space<vmem>>, %arg6: memref<10x128xi32, #tpu.memory_space<vmem>>, %arg7: memref<1280x32xf32, #tpu.memory_space<vmem>>, %arg8: memref<1280x32xf32, #tpu.memory_space<vmem>>, %arg9: memref<!tpu.dma_semaphore, #tpu.memory_space<semaphore_mem>>, %arg10: memref<!tpu.dma_semaphore, #tpu.memory_space<semaphore_mem>>, %arg11: memref<!tpu.dma_semaphore, #tpu.memory_space<semaphore_mem>>) attributes {dimension_semantics = [#tpu.dimension_semantics<core_parallel>, #tpu.dimension_semantics<subcore_parallel>], iteration_bounds = array<i64: 2, 16>, scalar_prefetch = 0 : i64, scratch_operands = 7 : i64, tpu.core_type = #tpu.core_type<sc_vector_subcore>, window_params = [{transform_indices = #map}, {transform_indices = #map}, {transform_indices = #map}]} {
    %mul3A = arith.constant 2 : i32
    %mul3A_0 = arith.muli %arg1, %mul3A : i32
    %add3A = arith.addi %mul3A_0, %arg0 : i32
    %mul3A_1 = arith.constant 102400 : i32
    %mul3A_2 = arith.muli %add3A, %mul3A_1 : i32
    %mul3A_3 = arith.constant 800 : i32
    %mul3A_4 = arith.muli %add3A, %mul3A_3 : i32
    %add3A_5 = arith.constant 0 : i32
    %add3A_6 = arith.addi %mul3A_4, %add3A_5 : i32
    "tpu.region"() ({
      %run_scoped3A = tpu.sem_alloc : memref<!tpu.dma_semaphore, #tpu.memory_space<semaphore_mem>>
      %dma_start3A_436 = arith.constant 0 : i32
      %dma_start3A_437 = tpu.memref_slice %arg2[%add3A_6, %dma_start3A_436] : memref<25600x128xi32, #tpu.memory_space<hbm>> -> memref<10x128xi32, #tpu.memory_space<hbm>>
      %dma_start3A_438 = arith.constant 0 : i32
      %dma_start3A_439 = tpu.memref_slice %arg2[%add3A_6, %dma_start3A_438] : memref<25600x128xi32, #tpu.memory_space<hbm>> -> memref<10x128xi32, #tpu.memory_space<hbm>>
      tpu.enqueue_dma source(%dma_start3A_439 : memref<10x128xi32, #tpu.memory_space<hbm>>) target(%arg5 : memref<10x128xi32, #tpu.memory_space<vmem>>) target_semaphore(%run_scoped3A : memref<!tpu.dma_semaphore, #tpu.memory_space<semaphore_mem>>)
      %dma_wait3A_440 = arith.constant 0 : i32
      %dma_wait3A_441 = tpu.memref_slice %arg2[%add3A_6, %dma_wait3A_440] : memref<25600x128xi32, #tpu.memory_space<hbm>> -> memref<10x128xi32, #tpu.memory_space<hbm>>
      %dma_wait3A_442 = arith.constant 0 : i32
      %dma_wait3A_443 = tpu.memref_slice %arg2[%add3A_6, %dma_wait3A_442] : memref<25600x128xi32, #tpu.memory_space<hbm>> -> memref<10x128xi32, #tpu.memory_space<hbm>>
      tpu.wait_dma2 semaphore(%run_scoped3A : memref<!tpu.dma_semaphore, #tpu.memory_space<semaphore_mem>>) src(%dma_wait3A_443 : memref<10x128xi32, #tpu.memory_space<hbm>>) dst(%arg5 : memref<10x128xi32, #tpu.memory_space<vmem>>)
      tpu.yield
    }) : () -> ()
    %dma_start3A = arith.constant 0 : i32
    %dma_start3A_7 = arith.constant 0 : i32
    %dma_start3A_8 = arith.constant 0 : i32
    %dma_start3A_9 = tpu.memref_slice %arg7[%dma_start3A_7, %dma_start3A_8] : memref<1280x32xf32, #tpu.memory_space<vmem>> -> memref<128x32xf32, #tpu.memory_space<vmem>>
    %dma_start3A_10 = arith.constant 0 : i32
    %dma_start3A_11 = tpu.memref_slice %arg5[%dma_start3A, %dma_start3A_10] : memref<10x128xi32, #tpu.memory_space<vmem>> -> memref<1x128xi32, #tpu.memory_space<vmem>>
    %dma_start3A_12 = tpu.memref_squeeze %dma_start3A_11 : memref<1x128xi32, #tpu.memory_space<vmem>> -> memref<128xi32, #tpu.memory_space<vmem>>
    %dma_start3A_13 = arith.constant 0 : i32
    %dma_start3A_14 = arith.constant 0 : i32
    %dma_start3A_15 = tpu.memref_slice %arg3[%dma_start3A_13, %dma_start3A_14] : memref<4x32xf32, #tpu.memory_space<hbm>> -> memref<4x32xf32, #tpu.memory_space<hbm>>
    tpu.enqueue_indirect_dma source(%dma_start3A_15 : memref<4x32xf32, #tpu.memory_space<hbm>>) target(%dma_start3A_9 : memref<128x32xf32, #tpu.memory_space<vmem>>) offsets(%dma_start3A_12 : memref<128xi32, #tpu.memory_space<vmem>>) semaphore(%arg11 : memref<!tpu.dma_semaphore, #tpu.memory_space<semaphore_mem>>)
    %dma_start3A_16 = arith.constant 1 : i32
    %dma_start3A_17 = arith.constant 128 : i32
    %dma_start3A_18 = arith.constant 0 : i32
    %dma_start3A_19 = tpu.memref_slice %arg7[%dma_start3A_17, %dma_start3A_18] : memref<1280x32xf32, #tpu.memory_space<vmem>> -> memref<128x32xf32, #tpu.memory_space<vmem>>
    %dma_start3A_20 = arith.constant 0 : i32
    %dma_start3A_21 = tpu.memref_slice %arg5[%dma_start3A_16, %dma_start3A_20] : memref<10x128xi32, #tpu.memory_space<vmem>> -> memref<1x128xi32, #tpu.memory_space<vmem>>
    %dma_start3A_22 = tpu.memref_squeeze %dma_start3A_21 : memref<1x128xi32, #tpu.memory_space<vmem>> -> memref<128xi32, #tpu.memory_space<vmem>>
    %dma_start3A_23 = arith.constant 0 : i32
    %dma_start3A_24 = arith.constant 0 : i32
    %dma_start3A_25 = tpu.memref_slice %arg3[%dma_start3A_23, %dma_start3A_24] : memref<4x32xf32, #tpu.memory_space<hbm>> -> memref<4x32xf32, #tpu.memory_space<hbm>>
    tpu.enqueue_indirect_dma source(%dma_start3A_25 : memref<4x32xf32, #tpu.memory_space<hbm>>) target(%dma_start3A_19 : memref<128x32xf32, #tpu.memory_space<vmem>>) offsets(%dma_start3A_22 : memref<128xi32, #tpu.memory_space<vmem>>) semaphore(%arg11 : memref<!tpu.dma_semaphore, #tpu.memory_space<semaphore_mem>>)
    %dma_start3A_26 = arith.constant 2 : i32
    %dma_start3A_27 = arith.constant 256 : i32
    %dma_start3A_28 = arith.constant 0 : i32
    %dma_start3A_29 = tpu.memref_slice %arg7[%dma_start3A_27, %dma_start3A_28] : memref<1280x32xf32, #tpu.memory_space<vmem>> -> memref<128x32xf32, #tpu.memory_space<vmem>>
    %dma_start3A_30 = arith.constant 0 : i32
    %dma_start3A_31 = tpu.memref_slice %arg5[%dma_start3A_26, %dma_start3A_30] : memref<10x128xi32, #tpu.memory_space<vmem>> -> memref<1x128xi32, #tpu.memory_space<vmem>>
    %dma_start3A_32 = tpu.memref_squeeze %dma_start3A_31 : memref<1x128xi32, #tpu.memory_space<vmem>> -> memref<128xi32, #tpu.memory_space<vmem>>
    %dma_start3A_33 = arith.constant 0 : i32
    %dma_start3A_34 = arith.constant 0 : i32
    %dma_start3A_35 = tpu.memref_slice %arg3[%dma_start3A_33, %dma_start3A_34] : memref<4x32xf32, #tpu.memory_space<hbm>> -> memref<4x32xf32, #tpu.memory_space<hbm>>
    tpu.enqueue_indirect_dma source(%dma_start3A_35 : memref<4x32xf32, #tpu.memory_space<hbm>>) target(%dma_start3A_29 : memref<128x32xf32, #tpu.memory_space<vmem>>) offsets(%dma_start3A_32 : memref<128xi32, #tpu.memory_space<vmem>>) semaphore(%arg11 : memref<!tpu.dma_semaphore, #tpu.memory_space<semaphore_mem>>)
    %dma_start3A_36 = arith.constant 3 : i32
    %dma_start3A_37 = arith.constant 384 : i32
    %dma_start3A_38 = arith.constant 0 : i32
    %dma_start3A_39 = tpu.memref_slice %arg7[%dma_start3A_37, %dma_start3A_38] : memref<1280x32xf32, #tpu.memory_space<vmem>> -> memref<128x32xf32, #tpu.memory_space<vmem>>
    %dma_start3A_40 = arith.constant 0 : i32
    %dma_start3A_41 = tpu.memref_slice %arg5[%dma_start3A_36, %dma_start3A_40] : memref<10x128xi32, #tpu.memory_space<vmem>> -> memref<1x128xi32, #tpu.memory_space<vmem>>
    %dma_start3A_42 = tpu.memref_squeeze %dma_start3A_41 : memref<1x128xi32, #tpu.memory_space<vmem>> -> memref<128xi32, #tpu.memory_space<vmem>>
    %dma_start3A_43 = arith.constant 0 : i32
    %dma_start3A_44 = arith.constant 0 : i32
    %dma_start3A_45 = tpu.memref_slice %arg3[%dma_start3A_43, %dma_start3A_44] : memref<4x32xf32, #tpu.memory_space<hbm>> -> memref<4x32xf32, #tpu.memory_space<hbm>>
    tpu.enqueue_indirect_dma source(%dma_start3A_45 : memref<4x32xf32, #tpu.memory_space<hbm>>) target(%dma_start3A_39 : memref<128x32xf32, #tpu.memory_space<vmem>>) offsets(%dma_start3A_42 : memref<128xi32, #tpu.memory_space<vmem>>) semaphore(%arg11 : memref<!tpu.dma_semaphore, #tpu.memory_space<semaphore_mem>>)
    %dma_start3A_46 = arith.constant 4 : i32
    %dma_start3A_47 = arith.constant 512 : i32
    %dma_start3A_48 = arith.constant 0 : i32
    %dma_start3A_49 = tpu.memref_slice %arg7[%dma_start3A_47, %dma_start3A_48] : memref<1280x32xf32, #tpu.memory_space<vmem>> -> memref<128x32xf32, #tpu.memory_space<vmem>>
    %dma_start3A_50 = arith.constant 0 : i32
    %dma_start3A_51 = tpu.memref_slice %arg5[%dma_start3A_46, %dma_start3A_50] : memref<10x128xi32, #tpu.memory_space<vmem>> -> memref<1x128xi32, #tpu.memory_space<vmem>>
    %dma_start3A_52 = tpu.memref_squeeze %dma_start3A_51 : memref<1x128xi32, #tpu.memory_space<vmem>> -> memref<128xi32, #tpu.memory_space<vmem>>
    %dma_start3A_53 = arith.constant 0 : i32
    %dma_start3A_54 = arith.constant 0 : i32
    %dma_start3A_55 = tpu.memref_slice %arg3[%dma_start3A_53, %dma_start3A_54] : memref<4x32xf32, #tpu.memory_space<hbm>> -> memref<4x32xf32, #tpu.memory_space<hbm>>
    tpu.enqueue_indirect_dma source(%dma_start3A_55 : memref<4x32xf32, #tpu.memory_space<hbm>>) target(%dma_start3A_49 : memref<128x32xf32, #tpu.memory_space<vmem>>) offsets(%dma_start3A_52 : memref<128xi32, #tpu.memory_space<vmem>>) semaphore(%arg11 : memref<!tpu.dma_semaphore, #tpu.memory_space<semaphore_mem>>)
    %dma_start3A_56 = arith.constant 5 : i32
    %dma_start3A_57 = arith.constant 640 : i32
    %dma_start3A_58 = arith.constant 0 : i32
    %dma_start3A_59 = tpu.memref_slice %arg7[%dma_start3A_57, %dma_start3A_58] : memref<1280x32xf32, #tpu.memory_space<vmem>> -> memref<128x32xf32, #tpu.memory_space<vmem>>
    %dma_start3A_60 = arith.constant 0 : i32
    %dma_start3A_61 = tpu.memref_slice %arg5[%dma_start3A_56, %dma_start3A_60] : memref<10x128xi32, #tpu.memory_space<vmem>> -> memref<1x128xi32, #tpu.memory_space<vmem>>
    %dma_start3A_62 = tpu.memref_squeeze %dma_start3A_61 : memref<1x128xi32, #tpu.memory_space<vmem>> -> memref<128xi32, #tpu.memory_space<vmem>>
    %dma_start3A_63 = arith.constant 0 : i32
    %dma_start3A_64 = arith.constant 0 : i32
    %dma_start3A_65 = tpu.memref_slice %arg3[%dma_start3A_63, %dma_start3A_64] : memref<4x32xf32, #tpu.memory_space<hbm>> -> memref<4x32xf32, #tpu.memory_space<hbm>>
    tpu.enqueue_indirect_dma source(%dma_start3A_65 : memref<4x32xf32, #tpu.memory_space<hbm>>) target(%dma_start3A_59 : memref<128x32xf32, #tpu.memory_space<vmem>>) offsets(%dma_start3A_62 : memref<128xi32, #tpu.memory_space<vmem>>) semaphore(%arg11 : memref<!tpu.dma_semaphore, #tpu.memory_space<semaphore_mem>>)
    %dma_start3A_66 = arith.constant 6 : i32
    %dma_start3A_67 = arith.constant 768 : i32
    %dma_start3A_68 = arith.constant 0 : i32
    %dma_start3A_69 = tpu.memref_slice %arg7[%dma_start3A_67, %dma_start3A_68] : memref<1280x32xf32, #tpu.memory_space<vmem>> -> memref<128x32xf32, #tpu.memory_space<vmem>>
    %dma_start3A_70 = arith.constant 0 : i32
    %dma_start3A_71 = tpu.memref_slice %arg5[%dma_start3A_66, %dma_start3A_70] : memref<10x128xi32, #tpu.memory_space<vmem>> -> memref<1x128xi32, #tpu.memory_space<vmem>>
    %dma_start3A_72 = tpu.memref_squeeze %dma_start3A_71 : memref<1x128xi32, #tpu.memory_space<vmem>> -> memref<128xi32, #tpu.memory_space<vmem>>
    %dma_start3A_73 = arith.constant 0 : i32
    %dma_start3A_74 = arith.constant 0 : i32
    %dma_start3A_75 = tpu.memref_slice %arg3[%dma_start3A_73, %dma_start3A_74] : memref<4x32xf32, #tpu.memory_space<hbm>> -> memref<4x32xf32, #tpu.memory_space<hbm>>
    tpu.enqueue_indirect_dma source(%dma_start3A_75 : memref<4x32xf32, #tpu.memory_space<hbm>>) target(%dma_start3A_69 : memref<128x32xf32, #tpu.memory_space<vmem>>) offsets(%dma_start3A_72 : memref<128xi32, #tpu.memory_space<vmem>>) semaphore(%arg11 : memref<!tpu.dma_semaphore, #tpu.memory_space<semaphore_mem>>)
    %dma_start3A_76 = arith.constant 7 : i32
    %dma_start3A_77 = arith.constant 896 : i32
    %dma_start3A_78 = arith.constant 0 : i32
    %dma_start3A_79 = tpu.memref_slice %arg7[%dma_start3A_77, %dma_start3A_78] : memref<1280x32xf32, #tpu.memory_space<vmem>> -> memref<128x32xf32, #tpu.memory_space<vmem>>
    %dma_start3A_80 = arith.constant 0 : i32
    %dma_start3A_81 = tpu.memref_slice %arg5[%dma_start3A_76, %dma_start3A_80] : memref<10x128xi32, #tpu.memory_space<vmem>> -> memref<1x128xi32, #tpu.memory_space<vmem>>
    %dma_start3A_82 = tpu.memref_squeeze %dma_start3A_81 : memref<1x128xi32, #tpu.memory_space<vmem>> -> memref<128xi32, #tpu.memory_space<vmem>>
    %dma_start3A_83 = arith.constant 0 : i32
    %dma_start3A_84 = arith.constant 0 : i32
    %dma_start3A_85 = tpu.memref_slice %arg3[%dma_start3A_83, %dma_start3A_84] : memref<4x32xf32, #tpu.memory_space<hbm>> -> memref<4x32xf32, #tpu.memory_space<hbm>>
    tpu.enqueue_indirect_dma source(%dma_start3A_85 : memref<4x32xf32, #tpu.memory_space<hbm>>) target(%dma_start3A_79 : memref<128x32xf32, #tpu.memory_space<vmem>>) offsets(%dma_start3A_82 : memref<128xi32, #tpu.memory_space<vmem>>) semaphore(%arg11 : memref<!tpu.dma_semaphore, #tpu.memory_space<semaphore_mem>>)
    %dma_start3A_86 = arith.constant 8 : i32
    %dma_start3A_87 = arith.constant 1024 : i32
    %dma_start3A_88 = arith.constant 0 : i32
    %dma_start3A_89 = tpu.memref_slice %arg7[%dma_start3A_87, %dma_start3A_88] : memref<1280x32xf32, #tpu.memory_space<vmem>> -> memref<128x32xf32, #tpu.memory_space<vmem>>
    %dma_start3A_90 = arith.constant 0 : i32
    %dma_start3A_91 = tpu.memref_slice %arg5[%dma_start3A_86, %dma_start3A_90] : memref<10x128xi32, #tpu.memory_space<vmem>> -> memref<1x128xi32, #tpu.memory_space<vmem>>
    %dma_start3A_92 = tpu.memref_squeeze %dma_start3A_91 : memref<1x128xi32, #tpu.memory_space<vmem>> -> memref<128xi32, #tpu.memory_space<vmem>>
    %dma_start3A_93 = arith.constant 0 : i32
    %dma_start3A_94 = arith.constant 0 : i32
    %dma_start3A_95 = tpu.memref_slice %arg3[%dma_start3A_93, %dma_start3A_94] : memref<4x32xf32, #tpu.memory_space<hbm>> -> memref<4x32xf32, #tpu.memory_space<hbm>>
    tpu.enqueue_indirect_dma source(%dma_start3A_95 : memref<4x32xf32, #tpu.memory_space<hbm>>) target(%dma_start3A_89 : memref<128x32xf32, #tpu.memory_space<vmem>>) offsets(%dma_start3A_92 : memref<128xi32, #tpu.memory_space<vmem>>) semaphore(%arg11 : memref<!tpu.dma_semaphore, #tpu.memory_space<semaphore_mem>>)
    %dma_start3A_96 = arith.constant 9 : i32
    %dma_start3A_97 = arith.constant 1152 : i32
    %dma_start3A_98 = arith.constant 0 : i32
    %dma_start3A_99 = tpu.memref_slice %arg7[%dma_start3A_97, %dma_start3A_98] : memref<1280x32xf32, #tpu.memory_space<vmem>> -> memref<128x32xf32, #tpu.memory_space<vmem>>
    %dma_start3A_100 = arith.constant 0 : i32
    %dma_start3A_101 = tpu.memref_slice %arg5[%dma_start3A_96, %dma_start3A_100] : memref<10x128xi32, #tpu.memory_space<vmem>> -> memref<1x128xi32, #tpu.memory_space<vmem>>
    %dma_start3A_102 = tpu.memref_squeeze %dma_start3A_101 : memref<1x128xi32, #tpu.memory_space<vmem>> -> memref<128xi32, #tpu.memory_space<vmem>>
    %dma_start3A_103 = arith.constant 0 : i32
    %dma_start3A_104 = arith.constant 0 : i32
    %dma_start3A_105 = tpu.memref_slice %arg3[%dma_start3A_103, %dma_start3A_104] : memref<4x32xf32, #tpu.memory_space<hbm>> -> memref<4x32xf32, #tpu.memory_space<hbm>>
    tpu.enqueue_indirect_dma source(%dma_start3A_105 : memref<4x32xf32, #tpu.memory_space<hbm>>) target(%dma_start3A_99 : memref<128x32xf32, #tpu.memory_space<vmem>>) offsets(%dma_start3A_102 : memref<128xi32, #tpu.memory_space<vmem>>) semaphore(%arg11 : memref<!tpu.dma_semaphore, #tpu.memory_space<semaphore_mem>>)
    %dma_wait3A = arith.constant 0 : i32
    %dma_wait3A_106 = arith.constant 0 : i32
    %dma_wait3A_107 = arith.constant 0 : i32
    %dma_wait3A_108 = tpu.memref_slice %arg7[%dma_wait3A_106, %dma_wait3A_107] : memref<1280x32xf32, #tpu.memory_space<vmem>> -> memref<128x32xf32, #tpu.memory_space<vmem>>
    %dma_wait3A_109 = arith.constant 0 : i32
    %dma_wait3A_110 = tpu.memref_slice %arg5[%dma_wait3A, %dma_wait3A_109] : memref<10x128xi32, #tpu.memory_space<vmem>> -> memref<1x128xi32, #tpu.memory_space<vmem>>
    %dma_wait3A_111 = tpu.memref_squeeze %dma_wait3A_110 : memref<1x128xi32, #tpu.memory_space<vmem>> -> memref<128xi32, #tpu.memory_space<vmem>>
    %dma_wait3A_112 = arith.constant 0 : i32
    %dma_wait3A_113 = arith.constant 0 : i32
    %dma_wait3A_114 = tpu.memref_slice %arg3[%dma_wait3A_112, %dma_wait3A_113] : memref<4x32xf32, #tpu.memory_space<hbm>> -> memref<4x32xf32, #tpu.memory_space<hbm>>
    tpu.wait_indirect_dma semaphore(%arg11 : memref<!tpu.dma_semaphore, #tpu.memory_space<semaphore_mem>>) src(%dma_wait3A_114 : memref<4x32xf32, #tpu.memory_space<hbm>>) dst(%dma_wait3A_108 : memref<128x32xf32, #tpu.memory_space<vmem>>)
    %dma_wait3A_115 = arith.constant 1 : i32
    %dma_wait3A_116 = arith.constant 128 : i32
    %dma_wait3A_117 = arith.constant 0 : i32
    %dma_wait3A_118 = tpu.memref_slice %arg7[%dma_wait3A_116, %dma_wait3A_117] : memref<1280x32xf32, #tpu.memory_space<vmem>> -> memref<128x32xf32, #tpu.memory_space<vmem>>
    %dma_wait3A_119 = arith.constant 0 : i32
    %dma_wait3A_120 = tpu.memref_slice %arg5[%dma_wait3A_115, %dma_wait3A_119] : memref<10x128xi32, #tpu.memory_space<vmem>> -> memref<1x128xi32, #tpu.memory_space<vmem>>
    %dma_wait3A_121 = tpu.memref_squeeze %dma_wait3A_120 : memref<1x128xi32, #tpu.memory_space<vmem>> -> memref<128xi32, #tpu.memory_space<vmem>>
    %dma_wait3A_122 = arith.constant 0 : i32
    %dma_wait3A_123 = arith.constant 0 : i32
    %dma_wait3A_124 = tpu.memref_slice %arg3[%dma_wait3A_122, %dma_wait3A_123] : memref<4x32xf32, #tpu.memory_space<hbm>> -> memref<4x32xf32, #tpu.memory_space<hbm>>
    tpu.wait_indirect_dma semaphore(%arg11 : memref<!tpu.dma_semaphore, #tpu.memory_space<semaphore_mem>>) src(%dma_wait3A_124 : memref<4x32xf32, #tpu.memory_space<hbm>>) dst(%dma_wait3A_118 : memref<128x32xf32, #tpu.memory_space<vmem>>)
    %dma_wait3A_125 = arith.constant 2 : i32
    %dma_wait3A_126 = arith.constant 256 : i32
    %dma_wait3A_127 = arith.constant 0 : i32
    %dma_wait3A_128 = tpu.memref_slice %arg7[%dma_wait3A_126, %dma_wait3A_127] : memref<1280x32xf32, #tpu.memory_space<vmem>> -> memref<128x32xf32, #tpu.memory_space<vmem>>
    %dma_wait3A_129 = arith.constant 0 : i32
    %dma_wait3A_130 = tpu.memref_slice %arg5[%dma_wait3A_125, %dma_wait3A_129] : memref<10x128xi32, #tpu.memory_space<vmem>> -> memref<1x128xi32, #tpu.memory_space<vmem>>
    %dma_wait3A_131 = tpu.memref_squeeze %dma_wait3A_130 : memref<1x128xi32, #tpu.memory_space<vmem>> -> memref<128xi32, #tpu.memory_space<vmem>>
    %dma_wait3A_132 = arith.constant 0 : i32
    %dma_wait3A_133 = arith.constant 0 : i32
    %dma_wait3A_134 = tpu.memref_slice %arg3[%dma_wait3A_132, %dma_wait3A_133] : memref<4x32xf32, #tpu.memory_space<hbm>> -> memref<4x32xf32, #tpu.memory_space<hbm>>
    tpu.wait_indirect_dma semaphore(%arg11 : memref<!tpu.dma_semaphore, #tpu.memory_space<semaphore_mem>>) src(%dma_wait3A_134 : memref<4x32xf32, #tpu.memory_space<hbm>>) dst(%dma_wait3A_128 : memref<128x32xf32, #tpu.memory_space<vmem>>)
    %dma_wait3A_135 = arith.constant 3 : i32
    %dma_wait3A_136 = arith.constant 384 : i32
    %dma_wait3A_137 = arith.constant 0 : i32
    %dma_wait3A_138 = tpu.memref_slice %arg7[%dma_wait3A_136, %dma_wait3A_137] : memref<1280x32xf32, #tpu.memory_space<vmem>> -> memref<128x32xf32, #tpu.memory_space<vmem>>
    %dma_wait3A_139 = arith.constant 0 : i32
    %dma_wait3A_140 = tpu.memref_slice %arg5[%dma_wait3A_135, %dma_wait3A_139] : memref<10x128xi32, #tpu.memory_space<vmem>> -> memref<1x128xi32, #tpu.memory_space<vmem>>
    %dma_wait3A_141 = tpu.memref_squeeze %dma_wait3A_140 : memref<1x128xi32, #tpu.memory_space<vmem>> -> memref<128xi32, #tpu.memory_space<vmem>>
    %dma_wait3A_142 = arith.constant 0 : i32
    %dma_wait3A_143 = arith.constant 0 : i32
    %dma_wait3A_144 = tpu.memref_slice %arg3[%dma_wait3A_142, %dma_wait3A_143] : memref<4x32xf32, #tpu.memory_space<hbm>> -> memref<4x32xf32, #tpu.memory_space<hbm>>
    tpu.wait_indirect_dma semaphore(%arg11 : memref<!tpu.dma_semaphore, #tpu.memory_space<semaphore_mem>>) src(%dma_wait3A_144 : memref<4x32xf32, #tpu.memory_space<hbm>>) dst(%dma_wait3A_138 : memref<128x32xf32, #tpu.memory_space<vmem>>)
    %dma_wait3A_145 = arith.constant 4 : i32
    %dma_wait3A_146 = arith.constant 512 : i32
    %dma_wait3A_147 = arith.constant 0 : i32
    %dma_wait3A_148 = tpu.memref_slice %arg7[%dma_wait3A_146, %dma_wait3A_147] : memref<1280x32xf32, #tpu.memory_space<vmem>> -> memref<128x32xf32, #tpu.memory_space<vmem>>
    %dma_wait3A_149 = arith.constant 0 : i32
    %dma_wait3A_150 = tpu.memref_slice %arg5[%dma_wait3A_145, %dma_wait3A_149] : memref<10x128xi32, #tpu.memory_space<vmem>> -> memref<1x128xi32, #tpu.memory_space<vmem>>
    %dma_wait3A_151 = tpu.memref_squeeze %dma_wait3A_150 : memref<1x128xi32, #tpu.memory_space<vmem>> -> memref<128xi32, #tpu.memory_space<vmem>>
    %dma_wait3A_152 = arith.constant 0 : i32
    %dma_wait3A_153 = arith.constant 0 : i32
    %dma_wait3A_154 = tpu.memref_slice %arg3[%dma_wait3A_152, %dma_wait3A_153] : memref<4x32xf32, #tpu.memory_space<hbm>> -> memref<4x32xf32, #tpu.memory_space<hbm>>
    tpu.wait_indirect_dma semaphore(%arg11 : memref<!tpu.dma_semaphore, #tpu.memory_space<semaphore_mem>>) src(%dma_wait3A_154 : memref<4x32xf32, #tpu.memory_space<hbm>>) dst(%dma_wait3A_148 : memref<128x32xf32, #tpu.memory_space<vmem>>)
    %dma_wait3A_155 = arith.constant 5 : i32
    %dma_wait3A_156 = arith.constant 640 : i32
    %dma_wait3A_157 = arith.constant 0 : i32
    %dma_wait3A_158 = tpu.memref_slice %arg7[%dma_wait3A_156, %dma_wait3A_157] : memref<1280x32xf32, #tpu.memory_space<vmem>> -> memref<128x32xf32, #tpu.memory_space<vmem>>
    %dma_wait3A_159 = arith.constant 0 : i32
    %dma_wait3A_160 = tpu.memref_slice %arg5[%dma_wait3A_155, %dma_wait3A_159] : memref<10x128xi32, #tpu.memory_space<vmem>> -> memref<1x128xi32, #tpu.memory_space<vmem>>
    %dma_wait3A_161 = tpu.memref_squeeze %dma_wait3A_160 : memref<1x128xi32, #tpu.memory_space<vmem>> -> memref<128xi32, #tpu.memory_space<vmem>>
    %dma_wait3A_162 = arith.constant 0 : i32
    %dma_wait3A_163 = arith.constant 0 : i32
    %dma_wait3A_164 = tpu.memref_slice %arg3[%dma_wait3A_162, %dma_wait3A_163] : memref<4x32xf32, #tpu.memory_space<hbm>> -> memref<4x32xf32, #tpu.memory_space<hbm>>
    tpu.wait_indirect_dma semaphore(%arg11 : memref<!tpu.dma_semaphore, #tpu.memory_space<semaphore_mem>>) src(%dma_wait3A_164 : memref<4x32xf32, #tpu.memory_space<hbm>>) dst(%dma_wait3A_158 : memref<128x32xf32, #tpu.memory_space<vmem>>)
    %dma_wait3A_165 = arith.constant 6 : i32
    %dma_wait3A_166 = arith.constant 768 : i32
    %dma_wait3A_167 = arith.constant 0 : i32
    %dma_wait3A_168 = tpu.memref_slice %arg7[%dma_wait3A_166, %dma_wait3A_167] : memref<1280x32xf32, #tpu.memory_space<vmem>> -> memref<128x32xf32, #tpu.memory_space<vmem>>
    %dma_wait3A_169 = arith.constant 0 : i32
    %dma_wait3A_170 = tpu.memref_slice %arg5[%dma_wait3A_165, %dma_wait3A_169] : memref<10x128xi32, #tpu.memory_space<vmem>> -> memref<1x128xi32, #tpu.memory_space<vmem>>
    %dma_wait3A_171 = tpu.memref_squeeze %dma_wait3A_170 : memref<1x128xi32, #tpu.memory_space<vmem>> -> memref<128xi32, #tpu.memory_space<vmem>>
    %dma_wait3A_172 = arith.constant 0 : i32
    %dma_wait3A_173 = arith.constant 0 : i32
    %dma_wait3A_174 = tpu.memref_slice %arg3[%dma_wait3A_172, %dma_wait3A_173] : memref<4x32xf32, #tpu.memory_space<hbm>> -> memref<4x32xf32, #tpu.memory_space<hbm>>
    tpu.wait_indirect_dma semaphore(%arg11 : memref<!tpu.dma_semaphore, #tpu.memory_space<semaphore_mem>>) src(%dma_wait3A_174 : memref<4x32xf32, #tpu.memory_space<hbm>>) dst(%dma_wait3A_168 : memref<128x32xf32, #tpu.memory_space<vmem>>)
    %dma_wait3A_175 = arith.constant 7 : i32
    %dma_wait3A_176 = arith.constant 896 : i32
    %dma_wait3A_177 = arith.constant 0 : i32
    %dma_wait3A_178 = tpu.memref_slice %arg7[%dma_wait3A_176, %dma_wait3A_177] : memref<1280x32xf32, #tpu.memory_space<vmem>> -> memref<128x32xf32, #tpu.memory_space<vmem>>
    %dma_wait3A_179 = arith.constant 0 : i32
    %dma_wait3A_180 = tpu.memref_slice %arg5[%dma_wait3A_175, %dma_wait3A_179] : memref<10x128xi32, #tpu.memory_space<vmem>> -> memref<1x128xi32, #tpu.memory_space<vmem>>
    %dma_wait3A_181 = tpu.memref_squeeze %dma_wait3A_180 : memref<1x128xi32, #tpu.memory_space<vmem>> -> memref<128xi32, #tpu.memory_space<vmem>>
    %dma_wait3A_182 = arith.constant 0 : i32
    %dma_wait3A_183 = arith.constant 0 : i32
    %dma_wait3A_184 = tpu.memref_slice %arg3[%dma_wait3A_182, %dma_wait3A_183] : memref<4x32xf32, #tpu.memory_space<hbm>> -> memref<4x32xf32, #tpu.memory_space<hbm>>
    tpu.wait_indirect_dma semaphore(%arg11 : memref<!tpu.dma_semaphore, #tpu.memory_space<semaphore_mem>>) src(%dma_wait3A_184 : memref<4x32xf32, #tpu.memory_space<hbm>>) dst(%dma_wait3A_178 : memref<128x32xf32, #tpu.memory_space<vmem>>)
    %dma_wait3A_185 = arith.constant 8 : i32
    %dma_wait3A_186 = arith.constant 1024 : i32
    %dma_wait3A_187 = arith.constant 0 : i32
    %dma_wait3A_188 = tpu.memref_slice %arg7[%dma_wait3A_186, %dma_wait3A_187] : memref<1280x32xf32, #tpu.memory_space<vmem>> -> memref<128x32xf32, #tpu.memory_space<vmem>>
    %dma_wait3A_189 = arith.constant 0 : i32
    %dma_wait3A_190 = tpu.memref_slice %arg5[%dma_wait3A_185, %dma_wait3A_189] : memref<10x128xi32, #tpu.memory_space<vmem>> -> memref<1x128xi32, #tpu.memory_space<vmem>>
    %dma_wait3A_191 = tpu.memref_squeeze %dma_wait3A_190 : memref<1x128xi32, #tpu.memory_space<vmem>> -> memref<128xi32, #tpu.memory_space<vmem>>
    %dma_wait3A_192 = arith.constant 0 : i32
    %dma_wait3A_193 = arith.constant 0 : i32
    %dma_wait3A_194 = tpu.memref_slice %arg3[%dma_wait3A_192, %dma_wait3A_193] : memref<4x32xf32, #tpu.memory_space<hbm>> -> memref<4x32xf32, #tpu.memory_space<hbm>>
    tpu.wait_indirect_dma semaphore(%arg11 : memref<!tpu.dma_semaphore, #tpu.memory_space<semaphore_mem>>) src(%dma_wait3A_194 : memref<4x32xf32, #tpu.memory_space<hbm>>) dst(%dma_wait3A_188 : memref<128x32xf32, #tpu.memory_space<vmem>>)
    %dma_wait3A_195 = arith.constant 9 : i32
    %dma_wait3A_196 = arith.constant 1152 : i32
    %dma_wait3A_197 = arith.constant 0 : i32
    %dma_wait3A_198 = tpu.memref_slice %arg7[%dma_wait3A_196, %dma_wait3A_197] : memref<1280x32xf32, #tpu.memory_space<vmem>> -> memref<128x32xf32, #tpu.memory_space<vmem>>
    %dma_wait3A_199 = arith.constant 0 : i32
    %dma_wait3A_200 = tpu.memref_slice %arg5[%dma_wait3A_195, %dma_wait3A_199] : memref<10x128xi32, #tpu.memory_space<vmem>> -> memref<1x128xi32, #tpu.memory_space<vmem>>
    %dma_wait3A_201 = tpu.memref_squeeze %dma_wait3A_200 : memref<1x128xi32, #tpu.memory_space<vmem>> -> memref<128xi32, #tpu.memory_space<vmem>>
    %dma_wait3A_202 = arith.constant 0 : i32
    %dma_wait3A_203 = arith.constant 0 : i32
    %dma_wait3A_204 = tpu.memref_slice %arg3[%dma_wait3A_202, %dma_wait3A_203] : memref<4x32xf32, #tpu.memory_space<hbm>> -> memref<4x32xf32, #tpu.memory_space<hbm>>
    tpu.wait_indirect_dma semaphore(%arg11 : memref<!tpu.dma_semaphore, #tpu.memory_space<semaphore_mem>>) src(%dma_wait3A_204 : memref<4x32xf32, #tpu.memory_space<hbm>>) dst(%dma_wait3A_198 : memref<128x32xf32, #tpu.memory_space<vmem>>)
    %add3A_205 = arith.constant 0 : i32
    %add3A_206 = arith.addi %mul3A_2, %add3A_205 : i32
    %dma_start3A_207 = arith.constant 0 : i32
    %dma_start3A_208 = tpu.memref_slice %arg4[%add3A_206, %dma_start3A_207] : memref<3276800x32xf32, #tpu.memory_space<hbm>> -> memref<1280x32xf32, #tpu.memory_space<hbm>>
    %dma_start3A_209 = arith.constant 0 : i32
    %dma_start3A_210 = tpu.memref_slice %arg4[%add3A_206, %dma_start3A_209] : memref<3276800x32xf32, #tpu.memory_space<hbm>> -> memref<1280x32xf32, #tpu.memory_space<hbm>>
    tpu.enqueue_dma source(%arg7 : memref<1280x32xf32, #tpu.memory_space<vmem>>) target(%dma_start3A_210 : memref<1280x32xf32, #tpu.memory_space<hbm>>) target_semaphore(%arg9 : memref<!tpu.dma_semaphore, #tpu.memory_space<semaphore_mem>>)
    %add3A_211 = arith.constant 10 : i32
    %add3A_212 = arith.addi %mul3A_4, %add3A_211 : i32
    "tpu.region"() ({
      %run_scoped3A = tpu.sem_alloc : memref<!tpu.dma_semaphore, #tpu.memory_space<semaphore_mem>>
      %dma_start3A_436 = arith.constant 0 : i32
      %dma_start3A_437 = tpu.memref_slice %arg2[%add3A_212, %dma_start3A_436] : memref<25600x128xi32, #tpu.memory_space<hbm>> -> memref<10x128xi32, #tpu.memory_space<hbm>>
      %dma_start3A_438 = arith.constant 0 : i32
      %dma_start3A_439 = tpu.memref_slice %arg2[%add3A_212, %dma_start3A_438] : memref<25600x128xi32, #tpu.memory_space<hbm>> -> memref<10x128xi32, #tpu.memory_space<hbm>>
      tpu.enqueue_dma source(%dma_start3A_439 : memref<10x128xi32, #tpu.memory_space<hbm>>) target(%arg6 : memref<10x128xi32, #tpu.memory_space<vmem>>) target_semaphore(%run_scoped3A : memref<!tpu.dma_semaphore, #tpu.memory_space<semaphore_mem>>)
      %dma_wait3A_440 = arith.constant 0 : i32
      %dma_wait3A_441 = tpu.memref_slice %arg2[%add3A_212, %dma_wait3A_440] : memref<25600x128xi32, #tpu.memory_space<hbm>> -> memref<10x128xi32, #tpu.memory_space<hbm>>
      %dma_wait3A_442 = arith.constant 0 : i32
      %dma_wait3A_443 = tpu.memref_slice %arg2[%add3A_212, %dma_wait3A_442] : memref<25600x128xi32, #tpu.memory_space<hbm>> -> memref<10x128xi32, #tpu.memory_space<hbm>>
      tpu.wait_dma2 semaphore(%run_scoped3A : memref<!tpu.dma_semaphore, #tpu.memory_space<semaphore_mem>>) src(%dma_wait3A_443 : memref<10x128xi32, #tpu.memory_space<hbm>>) dst(%arg6 : memref<10x128xi32, #tpu.memory_space<vmem>>)
      tpu.yield
    }) : () -> ()
    %dma_start3A_213 = arith.constant 0 : i32
    %dma_start3A_214 = arith.constant 0 : i32
    %dma_start3A_215 = arith.constant 0 : i32
    %dma_start3A_216 = tpu.memref_slice %arg8[%dma_start3A_214, %dma_start3A_215] : memref<1280x32xf32, #tpu.memory_space<vmem>> -> memref<128x32xf32, #tpu.memory_space<vmem>>
    %dma_start3A_217 = arith.constant 0 : i32
    %dma_start3A_218 = tpu.memref_slice %arg6[%dma_start3A_213, %dma_start3A_217] : memref<10x128xi32, #tpu.memory_space<vmem>> -> memref<1x128xi32, #tpu.memory_space<vmem>>
    %dma_start3A_219 = tpu.memref_squeeze %dma_start3A_218 : memref<1x128xi32, #tpu.memory_space<vmem>> -> memref<128xi32, #tpu.memory_space<vmem>>
    %dma_start3A_220 = arith.constant 0 : i32
    %dma_start3A_221 = arith.constant 0 : i32
    %dma_start3A_222 = tpu.memref_slice %arg3[%dma_start3A_220, %dma_start3A_221] : memref<4x32xf32, #tpu.memory_space<hbm>> -> memref<4x32xf32, #tpu.memory_space<hbm>>
    tpu.enqueue_indirect_dma source(%dma_start3A_222 : memref<4x32xf32, #tpu.memory_space<hbm>>) target(%dma_start3A_216 : memref<128x32xf32, #tpu.memory_space<vmem>>) offsets(%dma_start3A_219 : memref<128xi32, #tpu.memory_space<vmem>>) semaphore(%arg11 : memref<!tpu.dma_semaphore, #tpu.memory_space<semaphore_mem>>)
    %dma_start3A_223 = arith.constant 1 : i32
    %dma_start3A_224 = arith.constant 128 : i32
    %dma_start3A_225 = arith.constant 0 : i32
    %dma_start3A_226 = tpu.memref_slice %arg8[%dma_start3A_224, %dma_start3A_225] : memref<1280x32xf32, #tpu.memory_space<vmem>> -> memref<128x32xf32, #tpu.memory_space<vmem>>
    %dma_start3A_227 = arith.constant 0 : i32
    %dma_start3A_228 = tpu.memref_slice %arg6[%dma_start3A_223, %dma_start3A_227] : memref<10x128xi32, #tpu.memory_space<vmem>> -> memref<1x128xi32, #tpu.memory_space<vmem>>
    %dma_start3A_229 = tpu.memref_squeeze %dma_start3A_228 : memref<1x128xi32, #tpu.memory_space<vmem>> -> memref<128xi32, #tpu.memory_space<vmem>>
    %dma_start3A_230 = arith.constant 0 : i32
    %dma_start3A_231 = arith.constant 0 : i32
    %dma_start3A_232 = tpu.memref_slice %arg3[%dma_start3A_230, %dma_start3A_231] : memref<4x32xf32, #tpu.memory_space<hbm>> -> memref<4x32xf32, #tpu.memory_space<hbm>>
    tpu.enqueue_indirect_dma source(%dma_start3A_232 : memref<4x32xf32, #tpu.memory_space<hbm>>) target(%dma_start3A_226 : memref<128x32xf32, #tpu.memory_space<vmem>>) offsets(%dma_start3A_229 : memref<128xi32, #tpu.memory_space<vmem>>) semaphore(%arg11 : memref<!tpu.dma_semaphore, #tpu.memory_space<semaphore_mem>>)
    %dma_start3A_233 = arith.constant 2 : i32
    %dma_start3A_234 = arith.constant 256 : i32
    %dma_start3A_235 = arith.constant 0 : i32
    %dma_start3A_236 = tpu.memref_slice %arg8[%dma_start3A_234, %dma_start3A_235] : memref<1280x32xf32, #tpu.memory_space<vmem>> -> memref<128x32xf32, #tpu.memory_space<vmem>>
    %dma_start3A_237 = arith.constant 0 : i32
    %dma_start3A_238 = tpu.memref_slice %arg6[%dma_start3A_233, %dma_start3A_237] : memref<10x128xi32, #tpu.memory_space<vmem>> -> memref<1x128xi32, #tpu.memory_space<vmem>>
    %dma_start3A_239 = tpu.memref_squeeze %dma_start3A_238 : memref<1x128xi32, #tpu.memory_space<vmem>> -> memref<128xi32, #tpu.memory_space<vmem>>
    %dma_start3A_240 = arith.constant 0 : i32
    %dma_start3A_241 = arith.constant 0 : i32
    %dma_start3A_242 = tpu.memref_slice %arg3[%dma_start3A_240, %dma_start3A_241] : memref<4x32xf32, #tpu.memory_space<hbm>> -> memref<4x32xf32, #tpu.memory_space<hbm>>
    tpu.enqueue_indirect_dma source(%dma_start3A_242 : memref<4x32xf32, #tpu.memory_space<hbm>>) target(%dma_start3A_236 : memref<128x32xf32, #tpu.memory_space<vmem>>) offsets(%dma_start3A_239 : memref<128xi32, #tpu.memory_space<vmem>>) semaphore(%arg11 : memref<!tpu.dma_semaphore, #tpu.memory_space<semaphore_mem>>)
    %dma_start3A_243 = arith.constant 3 : i32
    %dma_start3A_244 = arith.constant 384 : i32
    %dma_start3A_245 = arith.constant 0 : i32
    %dma_start3A_246 = tpu.memref_slice %arg8[%dma_start3A_244, %dma_start3A_245] : memref<1280x32xf32, #tpu.memory_space<vmem>> -> memref<128x32xf32, #tpu.memory_space<vmem>>
    %dma_start3A_247 = arith.constant 0 : i32
    %dma_start3A_248 = tpu.memref_slice %arg6[%dma_start3A_243, %dma_start3A_247] : memref<10x128xi32, #tpu.memory_space<vmem>> -> memref<1x128xi32, #tpu.memory_space<vmem>>
    %dma_start3A_249 = tpu.memref_squeeze %dma_start3A_248 : memref<1x128xi32, #tpu.memory_space<vmem>> -> memref<128xi32, #tpu.memory_space<vmem>>
    %dma_start3A_250 = arith.constant 0 : i32
    %dma_start3A_251 = arith.constant 0 : i32
    %dma_start3A_252 = tpu.memref_slice %arg3[%dma_start3A_250, %dma_start3A_251] : memref<4x32xf32, #tpu.memory_space<hbm>> -> memref<4x32xf32, #tpu.memory_space<hbm>>
    tpu.enqueue_indirect_dma source(%dma_start3A_252 : memref<4x32xf32, #tpu.memory_space<hbm>>) target(%dma_start3A_246 : memref<128x32xf32, #tpu.memory_space<vmem>>) offsets(%dma_start3A_249 : memref<128xi32, #tpu.memory_space<vmem>>) semaphore(%arg11 : memref<!tpu.dma_semaphore, #tpu.memory_space<semaphore_mem>>)
    %dma_start3A_253 = arith.constant 4 : i32
    %dma_start3A_254 = arith.constant 512 : i32
    %dma_start3A_255 = arith.constant 0 : i32
    %dma_start3A_256 = tpu.memref_slice %arg8[%dma_start3A_254, %dma_start3A_255] : memref<1280x32xf32, #tpu.memory_space<vmem>> -> memref<128x32xf32, #tpu.memory_space<vmem>>
    %dma_start3A_257 = arith.constant 0 : i32
    %dma_start3A_258 = tpu.memref_slice %arg6[%dma_start3A_253, %dma_start3A_257] : memref<10x128xi32, #tpu.memory_space<vmem>> -> memref<1x128xi32, #tpu.memory_space<vmem>>
    %dma_start3A_259 = tpu.memref_squeeze %dma_start3A_258 : memref<1x128xi32, #tpu.memory_space<vmem>> -> memref<128xi32, #tpu.memory_space<vmem>>
    %dma_start3A_260 = arith.constant 0 : i32
    %dma_start3A_261 = arith.constant 0 : i32
    %dma_start3A_262 = tpu.memref_slice %arg3[%dma_start3A_260, %dma_start3A_261] : memref<4x32xf32, #tpu.memory_space<hbm>> -> memref<4x32xf32, #tpu.memory_space<hbm>>
    tpu.enqueue_indirect_dma source(%dma_start3A_262 : memref<4x32xf32, #tpu.memory_space<hbm>>) target(%dma_start3A_256 : memref<128x32xf32, #tpu.memory_space<vmem>>) offsets(%dma_start3A_259 : memref<128xi32, #tpu.memory_space<vmem>>) semaphore(%arg11 : memref<!tpu.dma_semaphore, #tpu.memory_space<semaphore_mem>>)
    %dma_start3A_263 = arith.constant 5 : i32
    %dma_start3A_264 = arith.constant 640 : i32
    %dma_start3A_265 = arith.constant 0 : i32
    %dma_start3A_266 = tpu.memref_slice %arg8[%dma_start3A_264, %dma_start3A_265] : memref<1280x32xf32, #tpu.memory_space<vmem>> -> memref<128x32xf32, #tpu.memory_space<vmem>>
    %dma_start3A_267 = arith.constant 0 : i32
    %dma_start3A_268 = tpu.memref_slice %arg6[%dma_start3A_263, %dma_start3A_267] : memref<10x128xi32, #tpu.memory_space<vmem>> -> memref<1x128xi32, #tpu.memory_space<vmem>>
    %dma_start3A_269 = tpu.memref_squeeze %dma_start3A_268 : memref<1x128xi32, #tpu.memory_space<vmem>> -> memref<128xi32, #tpu.memory_space<vmem>>
    %dma_start3A_270 = arith.constant 0 : i32
    %dma_start3A_271 = arith.constant 0 : i32
    %dma_start3A_272 = tpu.memref_slice %arg3[%dma_start3A_270, %dma_start3A_271] : memref<4x32xf32, #tpu.memory_space<hbm>> -> memref<4x32xf32, #tpu.memory_space<hbm>>
    tpu.enqueue_indirect_dma source(%dma_start3A_272 : memref<4x32xf32, #tpu.memory_space<hbm>>) target(%dma_start3A_266 : memref<128x32xf32, #tpu.memory_space<vmem>>) offsets(%dma_start3A_269 : memref<128xi32, #tpu.memory_space<vmem>>) semaphore(%arg11 : memref<!tpu.dma_semaphore, #tpu.memory_space<semaphore_mem>>)
    %dma_start3A_273 = arith.constant 6 : i32
    %dma_start3A_274 = arith.constant 768 : i32
    %dma_start3A_275 = arith.constant 0 : i32
    %dma_start3A_276 = tpu.memref_slice %arg8[%dma_start3A_274, %dma_start3A_275] : memref<1280x32xf32, #tpu.memory_space<vmem>> -> memref<128x32xf32, #tpu.memory_space<vmem>>
    %dma_start3A_277 = arith.constant 0 : i32
    %dma_start3A_278 = tpu.memref_slice %arg6[%dma_start3A_273, %dma_start3A_277] : memref<10x128xi32, #tpu.memory_space<vmem>> -> memref<1x128xi32, #tpu.memory_space<vmem>>
    %dma_start3A_279 = tpu.memref_squeeze %dma_start3A_278 : memref<1x128xi32, #tpu.memory_space<vmem>> -> memref<128xi32, #tpu.memory_space<vmem>>
    %dma_start3A_280 = arith.constant 0 : i32
    %dma_start3A_281 = arith.constant 0 : i32
    %dma_start3A_282 = tpu.memref_slice %arg3[%dma_start3A_280, %dma_start3A_281] : memref<4x32xf32, #tpu.memory_space<hbm>> -> memref<4x32xf32, #tpu.memory_space<hbm>>
    tpu.enqueue_indirect_dma source(%dma_start3A_282 : memref<4x32xf32, #tpu.memory_space<hbm>>) target(%dma_start3A_276 : memref<128x32xf32, #tpu.memory_space<vmem>>) offsets(%dma_start3A_279 : memref<128xi32, #tpu.memory_space<vmem>>) semaphore(%arg11 : memref<!tpu.dma_semaphore, #tpu.memory_space<semaphore_mem>>)
    %dma_start3A_283 = arith.constant 7 : i32
    %dma_start3A_284 = arith.constant 896 : i32
    %dma_start3A_285 = arith.constant 0 : i32
    %dma_start3A_286 = tpu.memref_slice %arg8[%dma_start3A_284, %dma_start3A_285] : memref<1280x32xf32, #tpu.memory_space<vmem>> -> memref<128x32xf32, #tpu.memory_space<vmem>>
    %dma_start3A_287 = arith.constant 0 : i32
    %dma_start3A_288 = tpu.memref_slice %arg6[%dma_start3A_283, %dma_start3A_287] : memref<10x128xi32, #tpu.memory_space<vmem>> -> memref<1x128xi32, #tpu.memory_space<vmem>>
    %dma_start3A_289 = tpu.memref_squeeze %dma_start3A_288 : memref<1x128xi32, #tpu.memory_space<vmem>> -> memref<128xi32, #tpu.memory_space<vmem>>
    %dma_start3A_290 = arith.constant 0 : i32
    %dma_start3A_291 = arith.constant 0 : i32
    %dma_start3A_292 = tpu.memref_slice %arg3[%dma_start3A_290, %dma_start3A_291] : memref<4x32xf32, #tpu.memory_space<hbm>> -> memref<4x32xf32, #tpu.memory_space<hbm>>
    tpu.enqueue_indirect_dma source(%dma_start3A_292 : memref<4x32xf32, #tpu.memory_space<hbm>>) target(%dma_start3A_286 : memref<128x32xf32, #tpu.memory_space<vmem>>) offsets(%dma_start3A_289 : memref<128xi32, #tpu.memory_space<vmem>>) semaphore(%arg11 : memref<!tpu.dma_semaphore, #tpu.memory_space<semaphore_mem>>)
    %dma_start3A_293 = arith.constant 8 : i32
    %dma_start3A_294 = arith.constant 1024 : i32
    %dma_start3A_295 = arith.constant 0 : i32
    %dma_start3A_296 = tpu.memref_slice %arg8[%dma_start3A_294, %dma_start3A_295] : memref<1280x32xf32, #tpu.memory_space<vmem>> -> memref<128x32xf32, #tpu.memory_space<vmem>>
    %dma_start3A_297 = arith.constant 0 : i32
    %dma_start3A_298 = tpu.memref_slice %arg6[%dma_start3A_293, %dma_start3A_297] : memref<10x128xi32, #tpu.memory_space<vmem>> -> memref<1x128xi32, #tpu.memory_space<vmem>>
    %dma_start3A_299 = tpu.memref_squeeze %dma_start3A_298 : memref<1x128xi32, #tpu.memory_space<vmem>> -> memref<128xi32, #tpu.memory_space<vmem>>
    %dma_start3A_300 = arith.constant 0 : i32
    %dma_start3A_301 = arith.constant 0 : i32
    %dma_start3A_302 = tpu.memref_slice %arg3[%dma_start3A_300, %dma_start3A_301] : memref<4x32xf32, #tpu.memory_space<hbm>> -> memref<4x32xf32, #tpu.memory_space<hbm>>
    tpu.enqueue_indirect_dma source(%dma_start3A_302 : memref<4x32xf32, #tpu.memory_space<hbm>>) target(%dma_start3A_296 : memref<128x32xf32, #tpu.memory_space<vmem>>) offsets(%dma_start3A_299 : memref<128xi32, #tpu.memory_space<vmem>>) semaphore(%arg11 : memref<!tpu.dma_semaphore, #tpu.memory_space<semaphore_mem>>)
    %dma_start3A_303 = arith.constant 9 : i32
    %dma_start3A_304 = arith.constant 1152 : i32
    %dma_start3A_305 = arith.constant 0 : i32
    %dma_start3A_306 = tpu.memref_slice %arg8[%dma_start3A_304, %dma_start3A_305] : memref<1280x32xf32, #tpu.memory_space<vmem>> -> memref<128x32xf32, #tpu.memory_space<vmem>>
    %dma_start3A_307 = arith.constant 0 : i32
    %dma_start3A_308 = tpu.memref_slice %arg6[%dma_start3A_303, %dma_start3A_307] : memref<10x128xi32, #tpu.memory_space<vmem>> -> memref<1x128xi32, #tpu.memory_space<vmem>>
    %dma_start3A_309 = tpu.memref_squeeze %dma_start3A_308 : memref<1x128xi32, #tpu.memory_space<vmem>> -> memref<128xi32, #tpu.memory_space<vmem>>
    %dma_start3A_310 = arith.constant 0 : i32
    %dma_start3A_311 = arith.constant 0 : i32
    %dma_start3A_312 = tpu.memref_slice %arg3[%dma_start3A_310, %dma_start3A_311] : memref<4x32xf32, #tpu.memory_space<hbm>> -> memref<4x32xf32, #tpu.memory_space<hbm>>
    tpu.enqueue_indirect_dma source(%dma_start3A_312 : memref<4x32xf32, #tpu.memory_space<hbm>>) target(%dma_start3A_306 : memref<128x32xf32, #tpu.memory_space<vmem>>) offsets(%dma_start3A_309 : memref<128xi32, #tpu.memory_space<vmem>>) semaphore(%arg11 : memref<!tpu.dma_semaphore, #tpu.memory_space<semaphore_mem>>)
    %dma_wait3A_313 = arith.constant 0 : i32
    %dma_wait3A_314 = arith.constant 0 : i32
    %dma_wait3A_315 = arith.constant 0 : i32
    %dma_wait3A_316 = tpu.memref_slice %arg8[%dma_wait3A_314, %dma_wait3A_315] : memref<1280x32xf32, #tpu.memory_space<vmem>> -> memref<128x32xf32, #tpu.memory_space<vmem>>
    %dma_wait3A_317 = arith.constant 0 : i32
    %dma_wait3A_318 = tpu.memref_slice %arg6[%dma_wait3A_313, %dma_wait3A_317] : memref<10x128xi32, #tpu.memory_space<vmem>> -> memref<1x128xi32, #tpu.memory_space<vmem>>
    %dma_wait3A_319 = tpu.memref_squeeze %dma_wait3A_318 : memref<1x128xi32, #tpu.memory_space<vmem>> -> memref<128xi32, #tpu.memory_space<vmem>>
    %dma_wait3A_320 = arith.constant 0 : i32
    %dma_wait3A_321 = arith.constant 0 : i32
    %dma_wait3A_322 = tpu.memref_slice %arg3[%dma_wait3A_320, %dma_wait3A_321] : memref<4x32xf32, #tpu.memory_space<hbm>> -> memref<4x32xf32, #tpu.memory_space<hbm>>
    tpu.wait_indirect_dma semaphore(%arg11 : memref<!tpu.dma_semaphore, #tpu.memory_space<semaphore_mem>>) src(%dma_wait3A_322 : memref<4x32xf32, #tpu.memory_space<hbm>>) dst(%dma_wait3A_316 : memref<128x32xf32, #tpu.memory_space<vmem>>)
    %dma_wait3A_323 = arith.constant 1 : i32
    %dma_wait3A_324 = arith.constant 128 : i32
    %dma_wait3A_325 = arith.constant 0 : i32
    %dma_wait3A_326 = tpu.memref_slice %arg8[%dma_wait3A_324, %dma_wait3A_325] : memref<1280x32xf32, #tpu.memory_space<vmem>> -> memref<128x32xf32, #tpu.memory_space<vmem>>
    %dma_wait3A_327 = arith.constant 0 : i32
    %dma_wait3A_328 = tpu.memref_slice %arg6[%dma_wait3A_323, %dma_wait3A_327] : memref<10x128xi32, #tpu.memory_space<vmem>> -> memref<1x128xi32, #tpu.memory_space<vmem>>
    %dma_wait3A_329 = tpu.memref_squeeze %dma_wait3A_328 : memref<1x128xi32, #tpu.memory_space<vmem>> -> memref<128xi32, #tpu.memory_space<vmem>>
    %dma_wait3A_330 = arith.constant 0 : i32
    %dma_wait3A_331 = arith.constant 0 : i32
    %dma_wait3A_332 = tpu.memref_slice %arg3[%dma_wait3A_330, %dma_wait3A_331] : memref<4x32xf32, #tpu.memory_space<hbm>> -> memref<4x32xf32, #tpu.memory_space<hbm>>
    tpu.wait_indirect_dma semaphore(%arg11 : memref<!tpu.dma_semaphore, #tpu.memory_space<semaphore_mem>>) src(%dma_wait3A_332 : memref<4x32xf32, #tpu.memory_space<hbm>>) dst(%dma_wait3A_326 : memref<128x32xf32, #tpu.memory_space<vmem>>)
    %dma_wait3A_333 = arith.constant 2 : i32
    %dma_wait3A_334 = arith.constant 256 : i32
    %dma_wait3A_335 = arith.constant 0 : i32
    %dma_wait3A_336 = tpu.memref_slice %arg8[%dma_wait3A_334, %dma_wait3A_335] : memref<1280x32xf32, #tpu.memory_space<vmem>> -> memref<128x32xf32, #tpu.memory_space<vmem>>
    %dma_wait3A_337 = arith.constant 0 : i32
    %dma_wait3A_338 = tpu.memref_slice %arg6[%dma_wait3A_333, %dma_wait3A_337] : memref<10x128xi32, #tpu.memory_space<vmem>> -> memref<1x128xi32, #tpu.memory_space<vmem>>
    %dma_wait3A_339 = tpu.memref_squeeze %dma_wait3A_338 : memref<1x128xi32, #tpu.memory_space<vmem>> -> memref<128xi32, #tpu.memory_space<vmem>>
    %dma_wait3A_340 = arith.constant 0 : i32
    %dma_wait3A_341 = arith.constant 0 : i32
    %dma_wait3A_342 = tpu.memref_slice %arg3[%dma_wait3A_340, %dma_wait3A_341] : memref<4x32xf32, #tpu.memory_space<hbm>> -> memref<4x32xf32, #tpu.memory_space<hbm>>
    tpu.wait_indirect_dma semaphore(%arg11 : memref<!tpu.dma_semaphore, #tpu.memory_space<semaphore_mem>>) src(%dma_wait3A_342 : memref<4x32xf32, #tpu.memory_space<hbm>>) dst(%dma_wait3A_336 : memref<128x32xf32, #tpu.memory_space<vmem>>)
    %dma_wait3A_343 = arith.constant 3 : i32
    %dma_wait3A_344 = arith.constant 384 : i32
    %dma_wait3A_345 = arith.constant 0 : i32
    %dma_wait3A_346 = tpu.memref_slice %arg8[%dma_wait3A_344, %dma_wait3A_345] : memref<1280x32xf32, #tpu.memory_space<vmem>> -> memref<128x32xf32, #tpu.memory_space<vmem>>
    %dma_wait3A_347 = arith.constant 0 : i32
    %dma_wait3A_348 = tpu.memref_slice %arg6[%dma_wait3A_343, %dma_wait3A_347] : memref<10x128xi32, #tpu.memory_space<vmem>> -> memref<1x128xi32, #tpu.memory_space<vmem>>
    %dma_wait3A_349 = tpu.memref_squeeze %dma_wait3A_348 : memref<1x128xi32, #tpu.memory_space<vmem>> -> memref<128xi32, #tpu.memory_space<vmem>>
    %dma_wait3A_350 = arith.constant 0 : i32
    %dma_wait3A_351 = arith.constant 0 : i32
    %dma_wait3A_352 = tpu.memref_slice %arg3[%dma_wait3A_350, %dma_wait3A_351] : memref<4x32xf32, #tpu.memory_space<hbm>> -> memref<4x32xf32, #tpu.memory_space<hbm>>
    tpu.wait_indirect_dma semaphore(%arg11 : memref<!tpu.dma_semaphore, #tpu.memory_space<semaphore_mem>>) src(%dma_wait3A_352 : memref<4x32xf32, #tpu.memory_space<hbm>>) dst(%dma_wait3A_346 : memref<128x32xf32, #tpu.memory_space<vmem>>)
    %dma_wait3A_353 = arith.constant 4 : i32
    %dma_wait3A_354 = arith.constant 512 : i32
    %dma_wait3A_355 = arith.constant 0 : i32
    %dma_wait3A_356 = tpu.memref_slice %arg8[%dma_wait3A_354, %dma_wait3A_355] : memref<1280x32xf32, #tpu.memory_space<vmem>> -> memref<128x32xf32, #tpu.memory_space<vmem>>
    %dma_wait3A_357 = arith.constant 0 : i32
    %dma_wait3A_358 = tpu.memref_slice %arg6[%dma_wait3A_353, %dma_wait3A_357] : memref<10x128xi32, #tpu.memory_space<vmem>> -> memref<1x128xi32, #tpu.memory_space<vmem>>
    %dma_wait3A_359 = tpu.memref_squeeze %dma_wait3A_358 : memref<1x128xi32, #tpu.memory_space<vmem>> -> memref<128xi32, #tpu.memory_space<vmem>>
    %dma_wait3A_360 = arith.constant 0 : i32
    %dma_wait3A_361 = arith.constant 0 : i32
    %dma_wait3A_362 = tpu.memref_slice %arg3[%dma_wait3A_360, %dma_wait3A_361] : memref<4x32xf32, #tpu.memory_space<hbm>> -> memref<4x32xf32, #tpu.memory_space<hbm>>
    tpu.wait_indirect_dma semaphore(%arg11 : memref<!tpu.dma_semaphore, #tpu.memory_space<semaphore_mem>>) src(%dma_wait3A_362 : memref<4x32xf32, #tpu.memory_space<hbm>>) dst(%dma_wait3A_356 : memref<128x32xf32, #tpu.memory_space<vmem>>)
    %dma_wait3A_363 = arith.constant 5 : i32
    %dma_wait3A_364 = arith.constant 640 : i32
    %dma_wait3A_365 = arith.constant 0 : i32
    %dma_wait3A_366 = tpu.memref_slice %arg8[%dma_wait3A_364, %dma_wait3A_365] : memref<1280x32xf32, #tpu.memory_space<vmem>> -> memref<128x32xf32, #tpu.memory_space<vmem>>
    %dma_wait3A_367 = arith.constant 0 : i32
    %dma_wait3A_368 = tpu.memref_slice %arg6[%dma_wait3A_363, %dma_wait3A_367] : memref<10x128xi32, #tpu.memory_space<vmem>> -> memref<1x128xi32, #tpu.memory_space<vmem>>
    %dma_wait3A_369 = tpu.memref_squeeze %dma_wait3A_368 : memref<1x128xi32, #tpu.memory_space<vmem>> -> memref<128xi32, #tpu.memory_space<vmem>>
    %dma_wait3A_370 = arith.constant 0 : i32
    %dma_wait3A_371 = arith.constant 0 : i32
    %dma_wait3A_372 = tpu.memref_slice %arg3[%dma_wait3A_370, %dma_wait3A_371] : memref<4x32xf32, #tpu.memory_space<hbm>> -> memref<4x32xf32, #tpu.memory_space<hbm>>
    tpu.wait_indirect_dma semaphore(%arg11 : memref<!tpu.dma_semaphore, #tpu.memory_space<semaphore_mem>>) src(%dma_wait3A_372 : memref<4x32xf32, #tpu.memory_space<hbm>>) dst(%dma_wait3A_366 : memref<128x32xf32, #tpu.memory_space<vmem>>)
    %dma_wait3A_373 = arith.constant 6 : i32
    %dma_wait3A_374 = arith.constant 768 : i32
    %dma_wait3A_375 = arith.constant 0 : i32
    %dma_wait3A_376 = tpu.memref_slice %arg8[%dma_wait3A_374, %dma_wait3A_375] : memref<1280x32xf32, #tpu.memory_space<vmem>> -> memref<128x32xf32, #tpu.memory_space<vmem>>
    %dma_wait3A_377 = arith.constant 0 : i32
    %dma_wait3A_378 = tpu.memref_slice %arg6[%dma_wait3A_373, %dma_wait3A_377] : memref<10x128xi32, #tpu.memory_space<vmem>> -> memref<1x128xi32, #tpu.memory_space<vmem>>
    %dma_wait3A_379 = tpu.memref_squeeze %dma_wait3A_378 : memref<1x128xi32, #tpu.memory_space<vmem>> -> memref<128xi32, #tpu.memory_space<vmem>>
    %dma_wait3A_380 = arith.constant 0 : i32
    %dma_wait3A_381 = arith.constant 0 : i32
    %dma_wait3A_382 = tpu.memref_slice %arg3[%dma_wait3A_380, %dma_wait3A_381] : memref<4x32xf32, #tpu.memory_space<hbm>> -> memref<4x32xf32, #tpu.memory_space<hbm>>
    tpu.wait_indirect_dma semaphore(%arg11 : memref<!tpu.dma_semaphore, #tpu.memory_space<semaphore_mem>>) src(%dma_wait3A_382 : memref<4x32xf32, #tpu.memory_space<hbm>>) dst(%dma_wait3A_376 : memref<128x32xf32, #tpu.memory_space<vmem>>)
    %dma_wait3A_383 = arith.constant 7 : i32
    %dma_wait3A_384 = arith.constant 896 : i32
    %dma_wait3A_385 = arith.constant 0 : i32
    %dma_wait3A_386 = tpu.memref_slice %arg8[%dma_wait3A_384, %dma_wait3A_385] : memref<1280x32xf32, #tpu.memory_space<vmem>> -> memref<128x32xf32, #tpu.memory_space<vmem>>
    %dma_wait3A_387 = arith.constant 0 : i32
    %dma_wait3A_388 = tpu.memref_slice %arg6[%dma_wait3A_383, %dma_wait3A_387] : memref<10x128xi32, #tpu.memory_space<vmem>> -> memref<1x128xi32, #tpu.memory_space<vmem>>
    %dma_wait3A_389 = tpu.memref_squeeze %dma_wait3A_388 : memref<1x128xi32, #tpu.memory_space<vmem>> -> memref<128xi32, #tpu.memory_space<vmem>>
    %dma_wait3A_390 = arith.constant 0 : i32
    %dma_wait3A_391 = arith.constant 0 : i32
    %dma_wait3A_392 = tpu.memref_slice %arg3[%dma_wait3A_390, %dma_wait3A_391] : memref<4x32xf32, #tpu.memory_space<hbm>> -> memref<4x32xf32, #tpu.memory_space<hbm>>
    tpu.wait_indirect_dma semaphore(%arg11 : memref<!tpu.dma_semaphore, #tpu.memory_space<semaphore_mem>>) src(%dma_wait3A_392 : memref<4x32xf32, #tpu.memory_space<hbm>>) dst(%dma_wait3A_386 : memref<128x32xf32, #tpu.memory_space<vmem>>)
    %dma_wait3A_393 = arith.constant 8 : i32
    %dma_wait3A_394 = arith.constant 1024 : i32
    %dma_wait3A_395 = arith.constant 0 : i32
    %dma_wait3A_396 = tpu.memref_slice %arg8[%dma_wait3A_394, %dma_wait3A_395] : memref<1280x32xf32, #tpu.memory_space<vmem>> -> memref<128x32xf32, #tpu.memory_space<vmem>>
    %dma_wait3A_397 = arith.constant 0 : i32
    %dma_wait3A_398 = tpu.memref_slice %arg6[%dma_wait3A_393, %dma_wait3A_397] : memref<10x128xi32, #tpu.memory_space<vmem>> -> memref<1x128xi32, #tpu.memory_space<vmem>>
    %dma_wait3A_399 = tpu.memref_squeeze %dma_wait3A_398 : memref<1x128xi32, #tpu.memory_space<vmem>> -> memref<128xi32, #tpu.memory_space<vmem>>
    %dma_wait3A_400 = arith.constant 0 : i32
    %dma_wait3A_401 = arith.constant 0 : i32
    %dma_wait3A_402 = tpu.memref_slice %arg3[%dma_wait3A_400, %dma_wait3A_401] : memref<4x32xf32, #tpu.memory_space<hbm>> -> memref<4x32xf32, #tpu.memory_space<hbm>>
    tpu.wait_indirect_dma semaphore(%arg11 : memref<!tpu.dma_semaphore, #tpu.memory_space<semaphore_mem>>) src(%dma_wait3A_402 : memref<4x32xf32, #tpu.memory_space<hbm>>) dst(%dma_wait3A_396 : memref<128x32xf32, #tpu.memory_space<vmem>>)
    %dma_wait3A_403 = arith.constant 9 : i32
    %dma_wait3A_404 = arith.constant 1152 : i32
    %dma_wait3A_405 = arith.constant 0 : i32
    %dma_wait3A_406 = tpu.memref_slice %arg8[%dma_wait3A_404, %dma_wait3A_405] : memref<1280x32xf32, #tpu.memory_space<vmem>> -> memref<128x32xf32, #tpu.memory_space<vmem>>
    %dma_wait3A_407 = arith.constant 0 : i32
    %dma_wait3A_408 = tpu.memref_slice %arg6[%dma_wait3A_403, %dma_wait3A_407] : memref<10x128xi32, #tpu.memory_space<vmem>> -> memref<1x128xi32, #tpu.memory_space<vmem>>
    %dma_wait3A_409 = tpu.memref_squeeze %dma_wait3A_408 : memref<1x128xi32, #tpu.memory_space<vmem>> -> memref<128xi32, #tpu.memory_space<vmem>>
    %dma_wait3A_410 = arith.constant 0 : i32
    %dma_wait3A_411 = arith.constant 0 : i32
    %dma_wait3A_412 = tpu.memref_slice %arg3[%dma_wait3A_410, %dma_wait3A_411] : memref<4x32xf32, #tpu.memory_space<hbm>> -> memref<4x32xf32, #tpu.memory_space<hbm>>
    tpu.wait_indirect_dma semaphore(%arg11 : memref<!tpu.dma_semaphore, #tpu.memory_space<semaphore_mem>>) src(%dma_wait3A_412 : memref<4x32xf32, #tpu.memory_space<hbm>>) dst(%dma_wait3A_406 : memref<128x32xf32, #tpu.memory_space<vmem>>)
    %add3A_413 = arith.constant 1280 : i32
    %add3A_414 = arith.addi %mul3A_2, %add3A_413 : i32
    %dma_start3A_415 = arith.constant 0 : i32
    %dma_start3A_416 = tpu.memref_slice %arg4[%add3A_414, %dma_start3A_415] : memref<3276800x32xf32, #tpu.memory_space<hbm>> -> memref<1280x32xf32, #tpu.memory_space<hbm>>
    %dma_start3A_417 = arith.constant 0 : i32
    %dma_start3A_418 = tpu.memref_slice %arg4[%add3A_414, %dma_start3A_417] : memref<3276800x32xf32, #tpu.memory_space<hbm>> -> memref<1280x32xf32, #tpu.memory_space<hbm>>
    tpu.enqueue_dma source(%arg8 : memref<1280x32xf32, #tpu.memory_space<vmem>>) target(%dma_start3A_418 : memref<1280x32xf32, #tpu.memory_space<hbm>>) target_semaphore(%arg10 : memref<!tpu.dma_semaphore, #tpu.memory_space<semaphore_mem>>)
    %scan3A = arith.constant 0 : i32
    %scan3A_419 = arith.constant 0 : i32
    %scan3A_420 = arith.constant 39 : i32
    %scan3A_421 = arith.addi %scan3A_419, %scan3A_420 : i32
    %scan3A_422 = arith.constant 1 : i32
    scf.for %scan3A_436 = %scan3A_419 to %scan3A_421 step %scan3A_422  : i32 {
      %mul3A_437 = arith.constant 2 : i32
      %mul3A_438 = arith.muli %mul3A_437, %scan3A_436 : i32
      %add3A_439 = arith.constant 0 : i32
      %add3A_440 = arith.addi %mul3A_438, %add3A_439 : i32
      %mul3A_441 = arith.constant 1280 : i32
      %mul3A_442 = arith.muli %add3A_440, %mul3A_441 : i32
      %add3A_443 = arith.addi %mul3A_2, %mul3A_442 : i32
      %dma_wait3A_444 = arith.constant 0 : i32
      %dma_wait3A_445 = tpu.memref_slice %arg4[%add3A_443, %dma_wait3A_444] : memref<3276800x32xf32, #tpu.memory_space<hbm>> -> memref<1280x32xf32, #tpu.memory_space<hbm>>
      %dma_wait3A_446 = arith.constant 0 : i32
      %dma_wait3A_447 = tpu.memref_slice %arg4[%add3A_443, %dma_wait3A_446] : memref<3276800x32xf32, #tpu.memory_space<hbm>> -> memref<1280x32xf32, #tpu.memory_space<hbm>>
      tpu.wait_dma2 semaphore(%arg9 : memref<!tpu.dma_semaphore, #tpu.memory_space<semaphore_mem>>) src(%arg7 : memref<1280x32xf32, #tpu.memory_space<vmem>>) dst(%dma_wait3A_447 : memref<1280x32xf32, #tpu.memory_space<hbm>>)
      %add3A_448 = arith.constant 2 : i32
      %add3A_449 = arith.addi %add3A_440, %add3A_448 : i32
      %mul3A_450 = arith.constant 10 : i32
      %mul3A_451 = arith.muli %add3A_449, %mul3A_450 : i32
      %add3A_452 = arith.addi %mul3A_4, %mul3A_451 : i32
      "tpu.region"() ({
        %run_scoped3A = tpu.sem_alloc : memref<!tpu.dma_semaphore, #tpu.memory_space<semaphore_mem>>
        %dma_start3A_885 = arith.constant 0 : i32
        %dma_start3A_886 = tpu.memref_slice %arg2[%add3A_452, %dma_start3A_885] : memref<25600x128xi32, #tpu.memory_space<hbm>> -> memref<10x128xi32, #tpu.memory_space<hbm>>
        %dma_start3A_887 = arith.constant 0 : i32
        %dma_start3A_888 = tpu.memref_slice %arg2[%add3A_452, %dma_start3A_887] : memref<25600x128xi32, #tpu.memory_space<hbm>> -> memref<10x128xi32, #tpu.memory_space<hbm>>
        tpu.enqueue_dma source(%dma_start3A_888 : memref<10x128xi32, #tpu.memory_space<hbm>>) target(%arg5 : memref<10x128xi32, #tpu.memory_space<vmem>>) target_semaphore(%run_scoped3A : memref<!tpu.dma_semaphore, #tpu.memory_space<semaphore_mem>>)
        %dma_wait3A_889 = arith.constant 0 : i32
        %dma_wait3A_890 = tpu.memref_slice %arg2[%add3A_452, %dma_wait3A_889] : memref<25600x128xi32, #tpu.memory_space<hbm>> -> memref<10x128xi32, #tpu.memory_space<hbm>>
        %dma_wait3A_891 = arith.constant 0 : i32
        %dma_wait3A_892 = tpu.memref_slice %arg2[%add3A_452, %dma_wait3A_891] : memref<25600x128xi32, #tpu.memory_space<hbm>> -> memref<10x128xi32, #tpu.memory_space<hbm>>
        tpu.wait_dma2 semaphore(%run_scoped3A : memref<!tpu.dma_semaphore, #tpu.memory_space<semaphore_mem>>) src(%dma_wait3A_892 : memref<10x128xi32, #tpu.memory_space<hbm>>) dst(%arg5 : memref<10x128xi32, #tpu.memory_space<vmem>>)
        tpu.yield
      }) : () -> ()
      %dma_start3A_453 = arith.constant 0 : i32
      %dma_start3A_454 = arith.constant 0 : i32
      %dma_start3A_455 = arith.constant 0 : i32
      %dma_start3A_456 = tpu.memref_slice %arg7[%dma_start3A_454, %dma_start3A_455] : memref<1280x32xf32, #tpu.memory_space<vmem>> -> memref<128x32xf32, #tpu.memory_space<vmem>>
      %dma_start3A_457 = arith.constant 0 : i32
      %dma_start3A_458 = tpu.memref_slice %arg5[%dma_start3A_453, %dma_start3A_457] : memref<10x128xi32, #tpu.memory_space<vmem>> -> memref<1x128xi32, #tpu.memory_space<vmem>>
      %dma_start3A_459 = tpu.memref_squeeze %dma_start3A_458 : memref<1x128xi32, #tpu.memory_space<vmem>> -> memref<128xi32, #tpu.memory_space<vmem>>
      %dma_start3A_460 = arith.constant 0 : i32
      %dma_start3A_461 = arith.constant 0 : i32
      %dma_start3A_462 = tpu.memref_slice %arg3[%dma_start3A_460, %dma_start3A_461] : memref<4x32xf32, #tpu.memory_space<hbm>> -> memref<4x32xf32, #tpu.memory_space<hbm>>
      tpu.enqueue_indirect_dma source(%dma_start3A_462 : memref<4x32xf32, #tpu.memory_space<hbm>>) target(%dma_start3A_456 : memref<128x32xf32, #tpu.memory_space<vmem>>) offsets(%dma_start3A_459 : memref<128xi32, #tpu.memory_space<vmem>>) semaphore(%arg11 : memref<!tpu.dma_semaphore, #tpu.memory_space<semaphore_mem>>)
      %dma_start3A_463 = arith.constant 1 : i32
      %dma_start3A_464 = arith.constant 128 : i32
      %dma_start3A_465 = arith.constant 0 : i32
      %dma_start3A_466 = tpu.memref_slice %arg7[%dma_start3A_464, %dma_start3A_465] : memref<1280x32xf32, #tpu.memory_space<vmem>> -> memref<128x32xf32, #tpu.memory_space<vmem>>
      %dma_start3A_467 = arith.constant 0 : i32
      %dma_start3A_468 = tpu.memref_slice %arg5[%dma_start3A_463, %dma_start3A_467] : memref<10x128xi32, #tpu.memory_space<vmem>> -> memref<1x128xi32, #tpu.memory_space<vmem>>
      %dma_start3A_469 = tpu.memref_squeeze %dma_start3A_468 : memref<1x128xi32, #tpu.memory_space<vmem>> -> memref<128xi32, #tpu.memory_space<vmem>>
      %dma_start3A_470 = arith.constant 0 : i32
      %dma_start3A_471 = arith.constant 0 : i32
      %dma_start3A_472 = tpu.memref_slice %arg3[%dma_start3A_470, %dma_start3A_471] : memref<4x32xf32, #tpu.memory_space<hbm>> -> memref<4x32xf32, #tpu.memory_space<hbm>>
      tpu.enqueue_indirect_dma source(%dma_start3A_472 : memref<4x32xf32, #tpu.memory_space<hbm>>) target(%dma_start3A_466 : memref<128x32xf32, #tpu.memory_space<vmem>>) offsets(%dma_start3A_469 : memref<128xi32, #tpu.memory_space<vmem>>) semaphore(%arg11 : memref<!tpu.dma_semaphore, #tpu.memory_space<semaphore_mem>>)
      %dma_start3A_473 = arith.constant 2 : i32
      %dma_start3A_474 = arith.constant 256 : i32
      %dma_start3A_475 = arith.constant 0 : i32
      %dma_start3A_476 = tpu.memref_slice %arg7[%dma_start3A_474, %dma_start3A_475] : memref<1280x32xf32, #tpu.memory_space<vmem>> -> memref<128x32xf32, #tpu.memory_space<vmem>>
      %dma_start3A_477 = arith.constant 0 : i32
      %dma_start3A_478 = tpu.memref_slice %arg5[%dma_start3A_473, %dma_start3A_477] : memref<10x128xi32, #tpu.memory_space<vmem>> -> memref<1x128xi32, #tpu.memory_space<vmem>>
      %dma_start3A_479 = tpu.memref_squeeze %dma_start3A_478 : memref<1x128xi32, #tpu.memory_space<vmem>> -> memref<128xi32, #tpu.memory_space<vmem>>
      %dma_start3A_480 = arith.constant 0 : i32
      %dma_start3A_481 = arith.constant 0 : i32
      %dma_start3A_482 = tpu.memref_slice %arg3[%dma_start3A_480, %dma_start3A_481] : memref<4x32xf32, #tpu.memory_space<hbm>> -> memref<4x32xf32, #tpu.memory_space<hbm>>
      tpu.enqueue_indirect_dma source(%dma_start3A_482 : memref<4x32xf32, #tpu.memory_space<hbm>>) target(%dma_start3A_476 : memref<128x32xf32, #tpu.memory_space<vmem>>) offsets(%dma_start3A_479 : memref<128xi32, #tpu.memory_space<vmem>>) semaphore(%arg11 : memref<!tpu.dma_semaphore, #tpu.memory_space<semaphore_mem>>)
      %dma_start3A_483 = arith.constant 3 : i32
      %dma_start3A_484 = arith.constant 384 : i32
      %dma_start3A_485 = arith.constant 0 : i32
      %dma_start3A_486 = tpu.memref_slice %arg7[%dma_start3A_484, %dma_start3A_485] : memref<1280x32xf32, #tpu.memory_space<vmem>> -> memref<128x32xf32, #tpu.memory_space<vmem>>
      %dma_start3A_487 = arith.constant 0 : i32
      %dma_start3A_488 = tpu.memref_slice %arg5[%dma_start3A_483, %dma_start3A_487] : memref<10x128xi32, #tpu.memory_space<vmem>> -> memref<1x128xi32, #tpu.memory_space<vmem>>
      %dma_start3A_489 = tpu.memref_squeeze %dma_start3A_488 : memref<1x128xi32, #tpu.memory_space<vmem>> -> memref<128xi32, #tpu.memory_space<vmem>>
      %dma_start3A_490 = arith.constant 0 : i32
      %dma_start3A_491 = arith.constant 0 : i32
      %dma_start3A_492 = tpu.memref_slice %arg3[%dma_start3A_490, %dma_start3A_491] : memref<4x32xf32, #tpu.memory_space<hbm>> -> memref<4x32xf32, #tpu.memory_space<hbm>>
      tpu.enqueue_indirect_dma source(%dma_start3A_492 : memref<4x32xf32, #tpu.memory_space<hbm>>) target(%dma_start3A_486 : memref<128x32xf32, #tpu.memory_space<vmem>>) offsets(%dma_start3A_489 : memref<128xi32, #tpu.memory_space<vmem>>) semaphore(%arg11 : memref<!tpu.dma_semaphore, #tpu.memory_space<semaphore_mem>>)
      %dma_start3A_493 = arith.constant 4 : i32
      %dma_start3A_494 = arith.constant 512 : i32
      %dma_start3A_495 = arith.constant 0 : i32
      %dma_start3A_496 = tpu.memref_slice %arg7[%dma_start3A_494, %dma_start3A_495] : memref<1280x32xf32, #tpu.memory_space<vmem>> -> memref<128x32xf32, #tpu.memory_space<vmem>>
      %dma_start3A_497 = arith.constant 0 : i32
      %dma_start3A_498 = tpu.memref_slice %arg5[%dma_start3A_493, %dma_start3A_497] : memref<10x128xi32, #tpu.memory_space<vmem>> -> memref<1x128xi32, #tpu.memory_space<vmem>>
      %dma_start3A_499 = tpu.memref_squeeze %dma_start3A_498 : memref<1x128xi32, #tpu.memory_space<vmem>> -> memref<128xi32, #tpu.memory_space<vmem>>
      %dma_start3A_500 = arith.constant 0 : i32
      %dma_start3A_501 = arith.constant 0 : i32
      %dma_start3A_502 = tpu.memref_slice %arg3[%dma_start3A_500, %dma_start3A_501] : memref<4x32xf32, #tpu.memory_space<hbm>> -> memref<4x32xf32, #tpu.memory_space<hbm>>
      tpu.enqueue_indirect_dma source(%dma_start3A_502 : memref<4x32xf32, #tpu.memory_space<hbm>>) target(%dma_start3A_496 : memref<128x32xf32, #tpu.memory_space<vmem>>) offsets(%dma_start3A_499 : memref<128xi32, #tpu.memory_space<vmem>>) semaphore(%arg11 : memref<!tpu.dma_semaphore, #tpu.memory_space<semaphore_mem>>)
      %dma_start3A_503 = arith.constant 5 : i32
      %dma_start3A_504 = arith.constant 640 : i32
      %dma_start3A_505 = arith.constant 0 : i32
      %dma_start3A_506 = tpu.memref_slice %arg7[%dma_start3A_504, %dma_start3A_505] : memref<1280x32xf32, #tpu.memory_space<vmem>> -> memref<128x32xf32, #tpu.memory_space<vmem>>
      %dma_start3A_507 = arith.constant 0 : i32
      %dma_start3A_508 = tpu.memref_slice %arg5[%dma_start3A_503, %dma_start3A_507] : memref<10x128xi32, #tpu.memory_space<vmem>> -> memref<1x128xi32, #tpu.memory_space<vmem>>
      %dma_start3A_509 = tpu.memref_squeeze %dma_start3A_508 : memref<1x128xi32, #tpu.memory_space<vmem>> -> memref<128xi32, #tpu.memory_space<vmem>>
      %dma_start3A_510 = arith.constant 0 : i32
      %dma_start3A_511 = arith.constant 0 : i32
      %dma_start3A_512 = tpu.memref_slice %arg3[%dma_start3A_510, %dma_start3A_511] : memref<4x32xf32, #tpu.memory_space<hbm>> -> memref<4x32xf32, #tpu.memory_space<hbm>>
      tpu.enqueue_indirect_dma source(%dma_start3A_512 : memref<4x32xf32, #tpu.memory_space<hbm>>) target(%dma_start3A_506 : memref<128x32xf32, #tpu.memory_space<vmem>>) offsets(%dma_start3A_509 : memref<128xi32, #tpu.memory_space<vmem>>) semaphore(%arg11 : memref<!tpu.dma_semaphore, #tpu.memory_space<semaphore_mem>>)
      %dma_start3A_513 = arith.constant 6 : i32
      %dma_start3A_514 = arith.constant 768 : i32
      %dma_start3A_515 = arith.constant 0 : i32
      %dma_start3A_516 = tpu.memref_slice %arg7[%dma_start3A_514, %dma_start3A_515] : memref<1280x32xf32, #tpu.memory_space<vmem>> -> memref<128x32xf32, #tpu.memory_space<vmem>>
      %dma_start3A_517 = arith.constant 0 : i32
      %dma_start3A_518 = tpu.memref_slice %arg5[%dma_start3A_513, %dma_start3A_517] : memref<10x128xi32, #tpu.memory_space<vmem>> -> memref<1x128xi32, #tpu.memory_space<vmem>>
      %dma_start3A_519 = tpu.memref_squeeze %dma_start3A_518 : memref<1x128xi32, #tpu.memory_space<vmem>> -> memref<128xi32, #tpu.memory_space<vmem>>
      %dma_start3A_520 = arith.constant 0 : i32
      %dma_start3A_521 = arith.constant 0 : i32
      %dma_start3A_522 = tpu.memref_slice %arg3[%dma_start3A_520, %dma_start3A_521] : memref<4x32xf32, #tpu.memory_space<hbm>> -> memref<4x32xf32, #tpu.memory_space<hbm>>
      tpu.enqueue_indirect_dma source(%dma_start3A_522 : memref<4x32xf32, #tpu.memory_space<hbm>>) target(%dma_start3A_516 : memref<128x32xf32, #tpu.memory_space<vmem>>) offsets(%dma_start3A_519 : memref<128xi32, #tpu.memory_space<vmem>>) semaphore(%arg11 : memref<!tpu.dma_semaphore, #tpu.memory_space<semaphore_mem>>)
      %dma_start3A_523 = arith.constant 7 : i32
      %dma_start3A_524 = arith.constant 896 : i32
      %dma_start3A_525 = arith.constant 0 : i32
      %dma_start3A_526 = tpu.memref_slice %arg7[%dma_start3A_524, %dma_start3A_525] : memref<1280x32xf32, #tpu.memory_space<vmem>> -> memref<128x32xf32, #tpu.memory_space<vmem>>
      %dma_start3A_527 = arith.constant 0 : i32
      %dma_start3A_528 = tpu.memref_slice %arg5[%dma_start3A_523, %dma_start3A_527] : memref<10x128xi32, #tpu.memory_space<vmem>> -> memref<1x128xi32, #tpu.memory_space<vmem>>
      %dma_start3A_529 = tpu.memref_squeeze %dma_start3A_528 : memref<1x128xi32, #tpu.memory_space<vmem>> -> memref<128xi32, #tpu.memory_space<vmem>>
      %dma_start3A_530 = arith.constant 0 : i32
      %dma_start3A_531 = arith.constant 0 : i32
      %dma_start3A_532 = tpu.memref_slice %arg3[%dma_start3A_530, %dma_start3A_531] : memref<4x32xf32, #tpu.memory_space<hbm>> -> memref<4x32xf32, #tpu.memory_space<hbm>>
      tpu.enqueue_indirect_dma source(%dma_start3A_532 : memref<4x32xf32, #tpu.memory_space<hbm>>) target(%dma_start3A_526 : memref<128x32xf32, #tpu.memory_space<vmem>>) offsets(%dma_start3A_529 : memref<128xi32, #tpu.memory_space<vmem>>) semaphore(%arg11 : memref<!tpu.dma_semaphore, #tpu.memory_space<semaphore_mem>>)
      %dma_start3A_533 = arith.constant 8 : i32
      %dma_start3A_534 = arith.constant 1024 : i32
      %dma_start3A_535 = arith.constant 0 : i32
      %dma_start3A_536 = tpu.memref_slice %arg7[%dma_start3A_534, %dma_start3A_535] : memref<1280x32xf32, #tpu.memory_space<vmem>> -> memref<128x32xf32, #tpu.memory_space<vmem>>
      %dma_start3A_537 = arith.constant 0 : i32
      %dma_start3A_538 = tpu.memref_slice %arg5[%dma_start3A_533, %dma_start3A_537] : memref<10x128xi32, #tpu.memory_space<vmem>> -> memref<1x128xi32, #tpu.memory_space<vmem>>
      %dma_start3A_539 = tpu.memref_squeeze %dma_start3A_538 : memref<1x128xi32, #tpu.memory_space<vmem>> -> memref<128xi32, #tpu.memory_space<vmem>>
      %dma_start3A_540 = arith.constant 0 : i32
      %dma_start3A_541 = arith.constant 0 : i32
      %dma_start3A_542 = tpu.memref_slice %arg3[%dma_start3A_540, %dma_start3A_541] : memref<4x32xf32, #tpu.memory_space<hbm>> -> memref<4x32xf32, #tpu.memory_space<hbm>>
      tpu.enqueue_indirect_dma source(%dma_start3A_542 : memref<4x32xf32, #tpu.memory_space<hbm>>) target(%dma_start3A_536 : memref<128x32xf32, #tpu.memory_space<vmem>>) offsets(%dma_start3A_539 : memref<128xi32, #tpu.memory_space<vmem>>) semaphore(%arg11 : memref<!tpu.dma_semaphore, #tpu.memory_space<semaphore_mem>>)
      %dma_start3A_543 = arith.constant 9 : i32
      %dma_start3A_544 = arith.constant 1152 : i32
      %dma_start3A_545 = arith.constant 0 : i32
      %dma_start3A_546 = tpu.memref_slice %arg7[%dma_start3A_544, %dma_start3A_545] : memref<1280x32xf32, #tpu.memory_space<vmem>> -> memref<128x32xf32, #tpu.memory_space<vmem>>
      %dma_start3A_547 = arith.constant 0 : i32
      %dma_start3A_548 = tpu.memref_slice %arg5[%dma_start3A_543, %dma_start3A_547] : memref<10x128xi32, #tpu.memory_space<vmem>> -> memref<1x128xi32, #tpu.memory_space<vmem>>
      %dma_start3A_549 = tpu.memref_squeeze %dma_start3A_548 : memref<1x128xi32, #tpu.memory_space<vmem>> -> memref<128xi32, #tpu.memory_space<vmem>>
      %dma_start3A_550 = arith.constant 0 : i32
      %dma_start3A_551 = arith.constant 0 : i32
      %dma_start3A_552 = tpu.memref_slice %arg3[%dma_start3A_550, %dma_start3A_551] : memref<4x32xf32, #tpu.memory_space<hbm>> -> memref<4x32xf32, #tpu.memory_space<hbm>>
      tpu.enqueue_indirect_dma source(%dma_start3A_552 : memref<4x32xf32, #tpu.memory_space<hbm>>) target(%dma_start3A_546 : memref<128x32xf32, #tpu.memory_space<vmem>>) offsets(%dma_start3A_549 : memref<128xi32, #tpu.memory_space<vmem>>) semaphore(%arg11 : memref<!tpu.dma_semaphore, #tpu.memory_space<semaphore_mem>>)
      %dma_wait3A_553 = arith.constant 0 : i32
      %dma_wait3A_554 = arith.constant 0 : i32
      %dma_wait3A_555 = arith.constant 0 : i32
      %dma_wait3A_556 = tpu.memref_slice %arg7[%dma_wait3A_554, %dma_wait3A_555] : memref<1280x32xf32, #tpu.memory_space<vmem>> -> memref<128x32xf32, #tpu.memory_space<vmem>>
      %dma_wait3A_557 = arith.constant 0 : i32
      %dma_wait3A_558 = tpu.memref_slice %arg5[%dma_wait3A_553, %dma_wait3A_557] : memref<10x128xi32, #tpu.memory_space<vmem>> -> memref<1x128xi32, #tpu.memory_space<vmem>>
      %dma_wait3A_559 = tpu.memref_squeeze %dma_wait3A_558 : memref<1x128xi32, #tpu.memory_space<vmem>> -> memref<128xi32, #tpu.memory_space<vmem>>
      %dma_wait3A_560 = arith.constant 0 : i32
      %dma_wait3A_561 = arith.constant 0 : i32
      %dma_wait3A_562 = tpu.memref_slice %arg3[%dma_wait3A_560, %dma_wait3A_561] : memref<4x32xf32, #tpu.memory_space<hbm>> -> memref<4x32xf32, #tpu.memory_space<hbm>>
      tpu.wait_indirect_dma semaphore(%arg11 : memref<!tpu.dma_semaphore, #tpu.memory_space<semaphore_mem>>) src(%dma_wait3A_562 : memref<4x32xf32, #tpu.memory_space<hbm>>) dst(%dma_wait3A_556 : memref<128x32xf32, #tpu.memory_space<vmem>>)
      %dma_wait3A_563 = arith.constant 1 : i32
      %dma_wait3A_564 = arith.constant 128 : i32
      %dma_wait3A_565 = arith.constant 0 : i32
      %dma_wait3A_566 = tpu.memref_slice %arg7[%dma_wait3A_564, %dma_wait3A_565] : memref<1280x32xf32, #tpu.memory_space<vmem>> -> memref<128x32xf32, #tpu.memory_space<vmem>>
      %dma_wait3A_567 = arith.constant 0 : i32
      %dma_wait3A_568 = tpu.memref_slice %arg5[%dma_wait3A_563, %dma_wait3A_567] : memref<10x128xi32, #tpu.memory_space<vmem>> -> memref<1x128xi32, #tpu.memory_space<vmem>>
      %dma_wait3A_569 = tpu.memref_squeeze %dma_wait3A_568 : memref<1x128xi32, #tpu.memory_space<vmem>> -> memref<128xi32, #tpu.memory_space<vmem>>
      %dma_wait3A_570 = arith.constant 0 : i32
      %dma_wait3A_571 = arith.constant 0 : i32
      %dma_wait3A_572 = tpu.memref_slice %arg3[%dma_wait3A_570, %dma_wait3A_571] : memref<4x32xf32, #tpu.memory_space<hbm>> -> memref<4x32xf32, #tpu.memory_space<hbm>>
      tpu.wait_indirect_dma semaphore(%arg11 : memref<!tpu.dma_semaphore, #tpu.memory_space<semaphore_mem>>) src(%dma_wait3A_572 : memref<4x32xf32, #tpu.memory_space<hbm>>) dst(%dma_wait3A_566 : memref<128x32xf32, #tpu.memory_space<vmem>>)
      %dma_wait3A_573 = arith.constant 2 : i32
      %dma_wait3A_574 = arith.constant 256 : i32
      %dma_wait3A_575 = arith.constant 0 : i32
      %dma_wait3A_576 = tpu.memref_slice %arg7[%dma_wait3A_574, %dma_wait3A_575] : memref<1280x32xf32, #tpu.memory_space<vmem>> -> memref<128x32xf32, #tpu.memory_space<vmem>>
      %dma_wait3A_577 = arith.constant 0 : i32
      %dma_wait3A_578 = tpu.memref_slice %arg5[%dma_wait3A_573, %dma_wait3A_577] : memref<10x128xi32, #tpu.memory_space<vmem>> -> memref<1x128xi32, #tpu.memory_space<vmem>>
      %dma_wait3A_579 = tpu.memref_squeeze %dma_wait3A_578 : memref<1x128xi32, #tpu.memory_space<vmem>> -> memref<128xi32, #tpu.memory_space<vmem>>
      %dma_wait3A_580 = arith.constant 0 : i32
      %dma_wait3A_581 = arith.constant 0 : i32
      %dma_wait3A_582 = tpu.memref_slice %arg3[%dma_wait3A_580, %dma_wait3A_581] : memref<4x32xf32, #tpu.memory_space<hbm>> -> memref<4x32xf32, #tpu.memory_space<hbm>>
      tpu.wait_indirect_dma semaphore(%arg11 : memref<!tpu.dma_semaphore, #tpu.memory_space<semaphore_mem>>) src(%dma_wait3A_582 : memref<4x32xf32, #tpu.memory_space<hbm>>) dst(%dma_wait3A_576 : memref<128x32xf32, #tpu.memory_space<vmem>>)
      %dma_wait3A_583 = arith.constant 3 : i32
      %dma_wait3A_584 = arith.constant 384 : i32
      %dma_wait3A_585 = arith.constant 0 : i32
      %dma_wait3A_586 = tpu.memref_slice %arg7[%dma_wait3A_584, %dma_wait3A_585] : memref<1280x32xf32, #tpu.memory_space<vmem>> -> memref<128x32xf32, #tpu.memory_space<vmem>>
      %dma_wait3A_587 = arith.constant 0 : i32
      %dma_wait3A_588 = tpu.memref_slice %arg5[%dma_wait3A_583, %dma_wait3A_587] : memref<10x128xi32, #tpu.memory_space<vmem>> -> memref<1x128xi32, #tpu.memory_space<vmem>>
      %dma_wait3A_589 = tpu.memref_squeeze %dma_wait3A_588 : memref<1x128xi32, #tpu.memory_space<vmem>> -> memref<128xi32, #tpu.memory_space<vmem>>
      %dma_wait3A_590 = arith.constant 0 : i32
      %dma_wait3A_591 = arith.constant 0 : i32
      %dma_wait3A_592 = tpu.memref_slice %arg3[%dma_wait3A_590, %dma_wait3A_591] : memref<4x32xf32, #tpu.memory_space<hbm>> -> memref<4x32xf32, #tpu.memory_space<hbm>>
      tpu.wait_indirect_dma semaphore(%arg11 : memref<!tpu.dma_semaphore, #tpu.memory_space<semaphore_mem>>) src(%dma_wait3A_592 : memref<4x32xf32, #tpu.memory_space<hbm>>) dst(%dma_wait3A_586 : memref<128x32xf32, #tpu.memory_space<vmem>>)
      %dma_wait3A_593 = arith.constant 4 : i32
      %dma_wait3A_594 = arith.constant 512 : i32
      %dma_wait3A_595 = arith.constant 0 : i32
      %dma_wait3A_596 = tpu.memref_slice %arg7[%dma_wait3A_594, %dma_wait3A_595] : memref<1280x32xf32, #tpu.memory_space<vmem>> -> memref<128x32xf32, #tpu.memory_space<vmem>>
      %dma_wait3A_597 = arith.constant 0 : i32
      %dma_wait3A_598 = tpu.memref_slice %arg5[%dma_wait3A_593, %dma_wait3A_597] : memref<10x128xi32, #tpu.memory_space<vmem>> -> memref<1x128xi32, #tpu.memory_space<vmem>>
      %dma_wait3A_599 = tpu.memref_squeeze %dma_wait3A_598 : memref<1x128xi32, #tpu.memory_space<vmem>> -> memref<128xi32, #tpu.memory_space<vmem>>
      %dma_wait3A_600 = arith.constant 0 : i32
      %dma_wait3A_601 = arith.constant 0 : i32
      %dma_wait3A_602 = tpu.memref_slice %arg3[%dma_wait3A_600, %dma_wait3A_601] : memref<4x32xf32, #tpu.memory_space<hbm>> -> memref<4x32xf32, #tpu.memory_space<hbm>>
      tpu.wait_indirect_dma semaphore(%arg11 : memref<!tpu.dma_semaphore, #tpu.memory_space<semaphore_mem>>) src(%dma_wait3A_602 : memref<4x32xf32, #tpu.memory_space<hbm>>) dst(%dma_wait3A_596 : memref<128x32xf32, #tpu.memory_space<vmem>>)
      %dma_wait3A_603 = arith.constant 5 : i32
      %dma_wait3A_604 = arith.constant 640 : i32
      %dma_wait3A_605 = arith.constant 0 : i32
      %dma_wait3A_606 = tpu.memref_slice %arg7[%dma_wait3A_604, %dma_wait3A_605] : memref<1280x32xf32, #tpu.memory_space<vmem>> -> memref<128x32xf32, #tpu.memory_space<vmem>>
      %dma_wait3A_607 = arith.constant 0 : i32
      %dma_wait3A_608 = tpu.memref_slice %arg5[%dma_wait3A_603, %dma_wait3A_607] : memref<10x128xi32, #tpu.memory_space<vmem>> -> memref<1x128xi32, #tpu.memory_space<vmem>>
      %dma_wait3A_609 = tpu.memref_squeeze %dma_wait3A_608 : memref<1x128xi32, #tpu.memory_space<vmem>> -> memref<128xi32, #tpu.memory_space<vmem>>
      %dma_wait3A_610 = arith.constant 0 : i32
      %dma_wait3A_611 = arith.constant 0 : i32
      %dma_wait3A_612 = tpu.memref_slice %arg3[%dma_wait3A_610, %dma_wait3A_611] : memref<4x32xf32, #tpu.memory_space<hbm>> -> memref<4x32xf32, #tpu.memory_space<hbm>>
      tpu.wait_indirect_dma semaphore(%arg11 : memref<!tpu.dma_semaphore, #tpu.memory_space<semaphore_mem>>) src(%dma_wait3A_612 : memref<4x32xf32, #tpu.memory_space<hbm>>) dst(%dma_wait3A_606 : memref<128x32xf32, #tpu.memory_space<vmem>>)
      %dma_wait3A_613 = arith.constant 6 : i32
      %dma_wait3A_614 = arith.constant 768 : i32
      %dma_wait3A_615 = arith.constant 0 : i32
      %dma_wait3A_616 = tpu.memref_slice %arg7[%dma_wait3A_614, %dma_wait3A_615] : memref<1280x32xf32, #tpu.memory_space<vmem>> -> memref<128x32xf32, #tpu.memory_space<vmem>>
      %dma_wait3A_617 = arith.constant 0 : i32
      %dma_wait3A_618 = tpu.memref_slice %arg5[%dma_wait3A_613, %dma_wait3A_617] : memref<10x128xi32, #tpu.memory_space<vmem>> -> memref<1x128xi32, #tpu.memory_space<vmem>>
      %dma_wait3A_619 = tpu.memref_squeeze %dma_wait3A_618 : memref<1x128xi32, #tpu.memory_space<vmem>> -> memref<128xi32, #tpu.memory_space<vmem>>
      %dma_wait3A_620 = arith.constant 0 : i32
      %dma_wait3A_621 = arith.constant 0 : i32
      %dma_wait3A_622 = tpu.memref_slice %arg3[%dma_wait3A_620, %dma_wait3A_621] : memref<4x32xf32, #tpu.memory_space<hbm>> -> memref<4x32xf32, #tpu.memory_space<hbm>>
      tpu.wait_indirect_dma semaphore(%arg11 : memref<!tpu.dma_semaphore, #tpu.memory_space<semaphore_mem>>) src(%dma_wait3A_622 : memref<4x32xf32, #tpu.memory_space<hbm>>) dst(%dma_wait3A_616 : memref<128x32xf32, #tpu.memory_space<vmem>>)
      %dma_wait3A_623 = arith.constant 7 : i32
      %dma_wait3A_624 = arith.constant 896 : i32
      %dma_wait3A_625 = arith.constant 0 : i32
      %dma_wait3A_626 = tpu.memref_slice %arg7[%dma_wait3A_624, %dma_wait3A_625] : memref<1280x32xf32, #tpu.memory_space<vmem>> -> memref<128x32xf32, #tpu.memory_space<vmem>>
      %dma_wait3A_627 = arith.constant 0 : i32
      %dma_wait3A_628 = tpu.memref_slice %arg5[%dma_wait3A_623, %dma_wait3A_627] : memref<10x128xi32, #tpu.memory_space<vmem>> -> memref<1x128xi32, #tpu.memory_space<vmem>>
      %dma_wait3A_629 = tpu.memref_squeeze %dma_wait3A_628 : memref<1x128xi32, #tpu.memory_space<vmem>> -> memref<128xi32, #tpu.memory_space<vmem>>
      %dma_wait3A_630 = arith.constant 0 : i32
      %dma_wait3A_631 = arith.constant 0 : i32
      %dma_wait3A_632 = tpu.memref_slice %arg3[%dma_wait3A_630, %dma_wait3A_631] : memref<4x32xf32, #tpu.memory_space<hbm>> -> memref<4x32xf32, #tpu.memory_space<hbm>>
      tpu.wait_indirect_dma semaphore(%arg11 : memref<!tpu.dma_semaphore, #tpu.memory_space<semaphore_mem>>) src(%dma_wait3A_632 : memref<4x32xf32, #tpu.memory_space<hbm>>) dst(%dma_wait3A_626 : memref<128x32xf32, #tpu.memory_space<vmem>>)
      %dma_wait3A_633 = arith.constant 8 : i32
      %dma_wait3A_634 = arith.constant 1024 : i32
      %dma_wait3A_635 = arith.constant 0 : i32
      %dma_wait3A_636 = tpu.memref_slice %arg7[%dma_wait3A_634, %dma_wait3A_635] : memref<1280x32xf32, #tpu.memory_space<vmem>> -> memref<128x32xf32, #tpu.memory_space<vmem>>
      %dma_wait3A_637 = arith.constant 0 : i32
      %dma_wait3A_638 = tpu.memref_slice %arg5[%dma_wait3A_633, %dma_wait3A_637] : memref<10x128xi32, #tpu.memory_space<vmem>> -> memref<1x128xi32, #tpu.memory_space<vmem>>
      %dma_wait3A_639 = tpu.memref_squeeze %dma_wait3A_638 : memref<1x128xi32, #tpu.memory_space<vmem>> -> memref<128xi32, #tpu.memory_space<vmem>>
      %dma_wait3A_640 = arith.constant 0 : i32
      %dma_wait3A_641 = arith.constant 0 : i32
      %dma_wait3A_642 = tpu.memref_slice %arg3[%dma_wait3A_640, %dma_wait3A_641] : memref<4x32xf32, #tpu.memory_space<hbm>> -> memref<4x32xf32, #tpu.memory_space<hbm>>
      tpu.wait_indirect_dma semaphore(%arg11 : memref<!tpu.dma_semaphore, #tpu.memory_space<semaphore_mem>>) src(%dma_wait3A_642 : memref<4x32xf32, #tpu.memory_space<hbm>>) dst(%dma_wait3A_636 : memref<128x32xf32, #tpu.memory_space<vmem>>)
      %dma_wait3A_643 = arith.constant 9 : i32
      %dma_wait3A_644 = arith.constant 1152 : i32
      %dma_wait3A_645 = arith.constant 0 : i32
      %dma_wait3A_646 = tpu.memref_slice %arg7[%dma_wait3A_644, %dma_wait3A_645] : memref<1280x32xf32, #tpu.memory_space<vmem>> -> memref<128x32xf32, #tpu.memory_space<vmem>>
      %dma_wait3A_647 = arith.constant 0 : i32
      %dma_wait3A_648 = tpu.memref_slice %arg5[%dma_wait3A_643, %dma_wait3A_647] : memref<10x128xi32, #tpu.memory_space<vmem>> -> memref<1x128xi32, #tpu.memory_space<vmem>>
      %dma_wait3A_649 = tpu.memref_squeeze %dma_wait3A_648 : memref<1x128xi32, #tpu.memory_space<vmem>> -> memref<128xi32, #tpu.memory_space<vmem>>
      %dma_wait3A_650 = arith.constant 0 : i32
      %dma_wait3A_651 = arith.constant 0 : i32
      %dma_wait3A_652 = tpu.memref_slice %arg3[%dma_wait3A_650, %dma_wait3A_651] : memref<4x32xf32, #tpu.memory_space<hbm>> -> memref<4x32xf32, #tpu.memory_space<hbm>>
      tpu.wait_indirect_dma semaphore(%arg11 : memref<!tpu.dma_semaphore, #tpu.memory_space<semaphore_mem>>) src(%dma_wait3A_652 : memref<4x32xf32, #tpu.memory_space<hbm>>) dst(%dma_wait3A_646 : memref<128x32xf32, #tpu.memory_space<vmem>>)
      %add3A_653 = arith.constant 2 : i32
      %add3A_654 = arith.addi %add3A_440, %add3A_653 : i32
      %mul3A_655 = arith.constant 1280 : i32
      %mul3A_656 = arith.muli %add3A_654, %mul3A_655 : i32
      %add3A_657 = arith.addi %mul3A_2, %mul3A_656 : i32
      %dma_start3A_658 = arith.constant 0 : i32
      %dma_start3A_659 = tpu.memref_slice %arg4[%add3A_657, %dma_start3A_658] : memref<3276800x32xf32, #tpu.memory_space<hbm>> -> memref<1280x32xf32, #tpu.memory_space<hbm>>
      %dma_start3A_660 = arith.constant 0 : i32
      %dma_start3A_661 = tpu.memref_slice %arg4[%add3A_657, %dma_start3A_660] : memref<3276800x32xf32, #tpu.memory_space<hbm>> -> memref<1280x32xf32, #tpu.memory_space<hbm>>
      tpu.enqueue_dma source(%arg7 : memref<1280x32xf32, #tpu.memory_space<vmem>>) target(%dma_start3A_661 : memref<1280x32xf32, #tpu.memory_space<hbm>>) target_semaphore(%arg9 : memref<!tpu.dma_semaphore, #tpu.memory_space<semaphore_mem>>)
      %add3A_662 = arith.constant 1 : i32
      %add3A_663 = arith.addi %mul3A_438, %add3A_662 : i32
      %mul3A_664 = arith.constant 1280 : i32
      %mul3A_665 = arith.muli %add3A_663, %mul3A_664 : i32
      %add3A_666 = arith.addi %mul3A_2, %mul3A_665 : i32
      %dma_wait3A_667 = arith.constant 0 : i32
      %dma_wait3A_668 = tpu.memref_slice %arg4[%add3A_666, %dma_wait3A_667] : memref<3276800x32xf32, #tpu.memory_space<hbm>> -> memref<1280x32xf32, #tpu.memory_space<hbm>>
      %dma_wait3A_669 = arith.constant 0 : i32
      %dma_wait3A_670 = tpu.memref_slice %arg4[%add3A_666, %dma_wait3A_669] : memref<3276800x32xf32, #tpu.memory_space<hbm>> -> memref<1280x32xf32, #tpu.memory_space<hbm>>
      tpu.wait_dma2 semaphore(%arg10 : memref<!tpu.dma_semaphore, #tpu.memory_space<semaphore_mem>>) src(%arg8 : memref<1280x32xf32, #tpu.memory_space<vmem>>) dst(%dma_wait3A_670 : memref<1280x32xf32, #tpu.memory_space<hbm>>)
      %add3A_671 = arith.constant 2 : i32
      %add3A_672 = arith.addi %add3A_663, %add3A_671 : i32
      %mul3A_673 = arith.constant 10 : i32
      %mul3A_674 = arith.muli %add3A_672, %mul3A_673 : i32
      %add3A_675 = arith.addi %mul3A_4, %mul3A_674 : i32
      "tpu.region"() ({
        %run_scoped3A = tpu.sem_alloc : memref<!tpu.dma_semaphore, #tpu.memory_space<semaphore_mem>>
        %dma_start3A_885 = arith.constant 0 : i32
        %dma_start3A_886 = tpu.memref_slice %arg2[%add3A_675, %dma_start3A_885] : memref<25600x128xi32, #tpu.memory_space<hbm>> -> memref<10x128xi32, #tpu.memory_space<hbm>>
        %dma_start3A_887 = arith.constant 0 : i32
        %dma_start3A_888 = tpu.memref_slice %arg2[%add3A_675, %dma_start3A_887] : memref<25600x128xi32, #tpu.memory_space<hbm>> -> memref<10x128xi32, #tpu.memory_space<hbm>>
        tpu.enqueue_dma source(%dma_start3A_888 : memref<10x128xi32, #tpu.memory_space<hbm>>) target(%arg6 : memref<10x128xi32, #tpu.memory_space<vmem>>) target_semaphore(%run_scoped3A : memref<!tpu.dma_semaphore, #tpu.memory_space<semaphore_mem>>)
        %dma_wait3A_889 = arith.constant 0 : i32
        %dma_wait3A_890 = tpu.memref_slice %arg2[%add3A_675, %dma_wait3A_889] : memref<25600x128xi32, #tpu.memory_space<hbm>> -> memref<10x128xi32, #tpu.memory_space<hbm>>
        %dma_wait3A_891 = arith.constant 0 : i32
        %dma_wait3A_892 = tpu.memref_slice %arg2[%add3A_675, %dma_wait3A_891] : memref<25600x128xi32, #tpu.memory_space<hbm>> -> memref<10x128xi32, #tpu.memory_space<hbm>>
        tpu.wait_dma2 semaphore(%run_scoped3A : memref<!tpu.dma_semaphore, #tpu.memory_space<semaphore_mem>>) src(%dma_wait3A_892 : memref<10x128xi32, #tpu.memory_space<hbm>>) dst(%arg6 : memref<10x128xi32, #tpu.memory_space<vmem>>)
        tpu.yield
      }) : () -> ()
      %dma_start3A_676 = arith.constant 0 : i32
      %dma_start3A_677 = arith.constant 0 : i32
      %dma_start3A_678 = arith.constant 0 : i32
      %dma_start3A_679 = tpu.memref_slice %arg8[%dma_start3A_677, %dma_start3A_678] : memref<1280x32xf32, #tpu.memory_space<vmem>> -> memref<128x32xf32, #tpu.memory_space<vmem>>
      %dma_start3A_680 = arith.constant 0 : i32
      %dma_start3A_681 = tpu.memref_slice %arg6[%dma_start3A_676, %dma_start3A_680] : memref<10x128xi32, #tpu.memory_space<vmem>> -> memref<1x128xi32, #tpu.memory_space<vmem>>
      %dma_start3A_682 = tpu.memref_squeeze %dma_start3A_681 : memref<1x128xi32, #tpu.memory_space<vmem>> -> memref<128xi32, #tpu.memory_space<vmem>>
      %dma_start3A_683 = arith.constant 0 : i32
      %dma_start3A_684 = arith.constant 0 : i32
      %dma_start3A_685 = tpu.memref_slice %arg3[%dma_start3A_683, %dma_start3A_684] : memref<4x32xf32, #tpu.memory_space<hbm>> -> memref<4x32xf32, #tpu.memory_space<hbm>>
      tpu.enqueue_indirect_dma source(%dma_start3A_685 : memref<4x32xf32, #tpu.memory_space<hbm>>) target(%dma_start3A_679 : memref<128x32xf32, #tpu.memory_space<vmem>>) offsets(%dma_start3A_682 : memref<128xi32, #tpu.memory_space<vmem>>) semaphore(%arg11 : memref<!tpu.dma_semaphore, #tpu.memory_space<semaphore_mem>>)
      %dma_start3A_686 = arith.constant 1 : i32
      %dma_start3A_687 = arith.constant 128 : i32
      %dma_start3A_688 = arith.constant 0 : i32
      %dma_start3A_689 = tpu.memref_slice %arg8[%dma_start3A_687, %dma_start3A_688] : memref<1280x32xf32, #tpu.memory_space<vmem>> -> memref<128x32xf32, #tpu.memory_space<vmem>>
      %dma_start3A_690 = arith.constant 0 : i32
      %dma_start3A_691 = tpu.memref_slice %arg6[%dma_start3A_686, %dma_start3A_690] : memref<10x128xi32, #tpu.memory_space<vmem>> -> memref<1x128xi32, #tpu.memory_space<vmem>>
      %dma_start3A_692 = tpu.memref_squeeze %dma_start3A_691 : memref<1x128xi32, #tpu.memory_space<vmem>> -> memref<128xi32, #tpu.memory_space<vmem>>
      %dma_start3A_693 = arith.constant 0 : i32
      %dma_start3A_694 = arith.constant 0 : i32
      %dma_start3A_695 = tpu.memref_slice %arg3[%dma_start3A_693, %dma_start3A_694] : memref<4x32xf32, #tpu.memory_space<hbm>> -> memref<4x32xf32, #tpu.memory_space<hbm>>
      tpu.enqueue_indirect_dma source(%dma_start3A_695 : memref<4x32xf32, #tpu.memory_space<hbm>>) target(%dma_start3A_689 : memref<128x32xf32, #tpu.memory_space<vmem>>) offsets(%dma_start3A_692 : memref<128xi32, #tpu.memory_space<vmem>>) semaphore(%arg11 : memref<!tpu.dma_semaphore, #tpu.memory_space<semaphore_mem>>)
      %dma_start3A_696 = arith.constant 2 : i32
      %dma_start3A_697 = arith.constant 256 : i32
      %dma_start3A_698 = arith.constant 0 : i32
      %dma_start3A_699 = tpu.memref_slice %arg8[%dma_start3A_697, %dma_start3A_698] : memref<1280x32xf32, #tpu.memory_space<vmem>> -> memref<128x32xf32, #tpu.memory_space<vmem>>
      %dma_start3A_700 = arith.constant 0 : i32
      %dma_start3A_701 = tpu.memref_slice %arg6[%dma_start3A_696, %dma_start3A_700] : memref<10x128xi32, #tpu.memory_space<vmem>> -> memref<1x128xi32, #tpu.memory_space<vmem>>
      %dma_start3A_702 = tpu.memref_squeeze %dma_start3A_701 : memref<1x128xi32, #tpu.memory_space<vmem>> -> memref<128xi32, #tpu.memory_space<vmem>>
      %dma_start3A_703 = arith.constant 0 : i32
      %dma_start3A_704 = arith.constant 0 : i32
      %dma_start3A_705 = tpu.memref_slice %arg3[%dma_start3A_703, %dma_start3A_704] : memref<4x32xf32, #tpu.memory_space<hbm>> -> memref<4x32xf32, #tpu.memory_space<hbm>>
      tpu.enqueue_indirect_dma source(%dma_start3A_705 : memref<4x32xf32, #tpu.memory_space<hbm>>) target(%dma_start3A_699 : memref<128x32xf32, #tpu.memory_space<vmem>>) offsets(%dma_start3A_702 : memref<128xi32, #tpu.memory_space<vmem>>) semaphore(%arg11 : memref<!tpu.dma_semaphore, #tpu.memory_space<semaphore_mem>>)
      %dma_start3A_706 = arith.constant 3 : i32
      %dma_start3A_707 = arith.constant 384 : i32
      %dma_start3A_708 = arith.constant 0 : i32
      %dma_start3A_709 = tpu.memref_slice %arg8[%dma_start3A_707, %dma_start3A_708] : memref<1280x32xf32, #tpu.memory_space<vmem>> -> memref<128x32xf32, #tpu.memory_space<vmem>>
      %dma_start3A_710 = arith.constant 0 : i32
      %dma_start3A_711 = tpu.memref_slice %arg6[%dma_start3A_706, %dma_start3A_710] : memref<10x128xi32, #tpu.memory_space<vmem>> -> memref<1x128xi32, #tpu.memory_space<vmem>>
      %dma_start3A_712 = tpu.memref_squeeze %dma_start3A_711 : memref<1x128xi32, #tpu.memory_space<vmem>> -> memref<128xi32, #tpu.memory_space<vmem>>
      %dma_start3A_713 = arith.constant 0 : i32
      %dma_start3A_714 = arith.constant 0 : i32
      %dma_start3A_715 = tpu.memref_slice %arg3[%dma_start3A_713, %dma_start3A_714] : memref<4x32xf32, #tpu.memory_space<hbm>> -> memref<4x32xf32, #tpu.memory_space<hbm>>
      tpu.enqueue_indirect_dma source(%dma_start3A_715 : memref<4x32xf32, #tpu.memory_space<hbm>>) target(%dma_start3A_709 : memref<128x32xf32, #tpu.memory_space<vmem>>) offsets(%dma_start3A_712 : memref<128xi32, #tpu.memory_space<vmem>>) semaphore(%arg11 : memref<!tpu.dma_semaphore, #tpu.memory_space<semaphore_mem>>)
      %dma_start3A_716 = arith.constant 4 : i32
      %dma_start3A_717 = arith.constant 512 : i32
      %dma_start3A_718 = arith.constant 0 : i32
      %dma_start3A_719 = tpu.memref_slice %arg8[%dma_start3A_717, %dma_start3A_718] : memref<1280x32xf32, #tpu.memory_space<vmem>> -> memref<128x32xf32, #tpu.memory_space<vmem>>
      %dma_start3A_720 = arith.constant 0 : i32
      %dma_start3A_721 = tpu.memref_slice %arg6[%dma_start3A_716, %dma_start3A_720] : memref<10x128xi32, #tpu.memory_space<vmem>> -> memref<1x128xi32, #tpu.memory_space<vmem>>
      %dma_start3A_722 = tpu.memref_squeeze %dma_start3A_721 : memref<1x128xi32, #tpu.memory_space<vmem>> -> memref<128xi32, #tpu.memory_space<vmem>>
      %dma_start3A_723 = arith.constant 0 : i32
      %dma_start3A_724 = arith.constant 0 : i32
      %dma_start3A_725 = tpu.memref_slice %arg3[%dma_start3A_723, %dma_start3A_724] : memref<4x32xf32, #tpu.memory_space<hbm>> -> memref<4x32xf32, #tpu.memory_space<hbm>>
      tpu.enqueue_indirect_dma source(%dma_start3A_725 : memref<4x32xf32, #tpu.memory_space<hbm>>) target(%dma_start3A_719 : memref<128x32xf32, #tpu.memory_space<vmem>>) offsets(%dma_start3A_722 : memref<128xi32, #tpu.memory_space<vmem>>) semaphore(%arg11 : memref<!tpu.dma_semaphore, #tpu.memory_space<semaphore_mem>>)
      %dma_start3A_726 = arith.constant 5 : i32
      %dma_start3A_727 = arith.constant 640 : i32
      %dma_start3A_728 = arith.constant 0 : i32
      %dma_start3A_729 = tpu.memref_slice %arg8[%dma_start3A_727, %dma_start3A_728] : memref<1280x32xf32, #tpu.memory_space<vmem>> -> memref<128x32xf32, #tpu.memory_space<vmem>>
      %dma_start3A_730 = arith.constant 0 : i32
      %dma_start3A_731 = tpu.memref_slice %arg6[%dma_start3A_726, %dma_start3A_730] : memref<10x128xi32, #tpu.memory_space<vmem>> -> memref<1x128xi32, #tpu.memory_space<vmem>>
      %dma_start3A_732 = tpu.memref_squeeze %dma_start3A_731 : memref<1x128xi32, #tpu.memory_space<vmem>> -> memref<128xi32, #tpu.memory_space<vmem>>
      %dma_start3A_733 = arith.constant 0 : i32
      %dma_start3A_734 = arith.constant 0 : i32
      %dma_start3A_735 = tpu.memref_slice %arg3[%dma_start3A_733, %dma_start3A_734] : memref<4x32xf32, #tpu.memory_space<hbm>> -> memref<4x32xf32, #tpu.memory_space<hbm>>
      tpu.enqueue_indirect_dma source(%dma_start3A_735 : memref<4x32xf32, #tpu.memory_space<hbm>>) target(%dma_start3A_729 : memref<128x32xf32, #tpu.memory_space<vmem>>) offsets(%dma_start3A_732 : memref<128xi32, #tpu.memory_space<vmem>>) semaphore(%arg11 : memref<!tpu.dma_semaphore, #tpu.memory_space<semaphore_mem>>)
      %dma_start3A_736 = arith.constant 6 : i32
      %dma_start3A_737 = arith.constant 768 : i32
      %dma_start3A_738 = arith.constant 0 : i32
      %dma_start3A_739 = tpu.memref_slice %arg8[%dma_start3A_737, %dma_start3A_738] : memref<1280x32xf32, #tpu.memory_space<vmem>> -> memref<128x32xf32, #tpu.memory_space<vmem>>
      %dma_start3A_740 = arith.constant 0 : i32
      %dma_start3A_741 = tpu.memref_slice %arg6[%dma_start3A_736, %dma_start3A_740] : memref<10x128xi32, #tpu.memory_space<vmem>> -> memref<1x128xi32, #tpu.memory_space<vmem>>
      %dma_start3A_742 = tpu.memref_squeeze %dma_start3A_741 : memref<1x128xi32, #tpu.memory_space<vmem>> -> memref<128xi32, #tpu.memory_space<vmem>>
      %dma_start3A_743 = arith.constant 0 : i32
      %dma_start3A_744 = arith.constant 0 : i32
      %dma_start3A_745 = tpu.memref_slice %arg3[%dma_start3A_743, %dma_start3A_744] : memref<4x32xf32, #tpu.memory_space<hbm>> -> memref<4x32xf32, #tpu.memory_space<hbm>>
      tpu.enqueue_indirect_dma source(%dma_start3A_745 : memref<4x32xf32, #tpu.memory_space<hbm>>) target(%dma_start3A_739 : memref<128x32xf32, #tpu.memory_space<vmem>>) offsets(%dma_start3A_742 : memref<128xi32, #tpu.memory_space<vmem>>) semaphore(%arg11 : memref<!tpu.dma_semaphore, #tpu.memory_space<semaphore_mem>>)
      %dma_start3A_746 = arith.constant 7 : i32
      %dma_start3A_747 = arith.constant 896 : i32
      %dma_start3A_748 = arith.constant 0 : i32
      %dma_start3A_749 = tpu.memref_slice %arg8[%dma_start3A_747, %dma_start3A_748] : memref<1280x32xf32, #tpu.memory_space<vmem>> -> memref<128x32xf32, #tpu.memory_space<vmem>>
      %dma_start3A_750 = arith.constant 0 : i32
      %dma_start3A_751 = tpu.memref_slice %arg6[%dma_start3A_746, %dma_start3A_750] : memref<10x128xi32, #tpu.memory_space<vmem>> -> memref<1x128xi32, #tpu.memory_space<vmem>>
      %dma_start3A_752 = tpu.memref_squeeze %dma_start3A_751 : memref<1x128xi32, #tpu.memory_space<vmem>> -> memref<128xi32, #tpu.memory_space<vmem>>
      %dma_start3A_753 = arith.constant 0 : i32
      %dma_start3A_754 = arith.constant 0 : i32
      %dma_start3A_755 = tpu.memref_slice %arg3[%dma_start3A_753, %dma_start3A_754] : memref<4x32xf32, #tpu.memory_space<hbm>> -> memref<4x32xf32, #tpu.memory_space<hbm>>
      tpu.enqueue_indirect_dma source(%dma_start3A_755 : memref<4x32xf32, #tpu.memory_space<hbm>>) target(%dma_start3A_749 : memref<128x32xf32, #tpu.memory_space<vmem>>) offsets(%dma_start3A_752 : memref<128xi32, #tpu.memory_space<vmem>>) semaphore(%arg11 : memref<!tpu.dma_semaphore, #tpu.memory_space<semaphore_mem>>)
      %dma_start3A_756 = arith.constant 8 : i32
      %dma_start3A_757 = arith.constant 1024 : i32
      %dma_start3A_758 = arith.constant 0 : i32
      %dma_start3A_759 = tpu.memref_slice %arg8[%dma_start3A_757, %dma_start3A_758] : memref<1280x32xf32, #tpu.memory_space<vmem>> -> memref<128x32xf32, #tpu.memory_space<vmem>>
      %dma_start3A_760 = arith.constant 0 : i32
      %dma_start3A_761 = tpu.memref_slice %arg6[%dma_start3A_756, %dma_start3A_760] : memref<10x128xi32, #tpu.memory_space<vmem>> -> memref<1x128xi32, #tpu.memory_space<vmem>>
      %dma_start3A_762 = tpu.memref_squeeze %dma_start3A_761 : memref<1x128xi32, #tpu.memory_space<vmem>> -> memref<128xi32, #tpu.memory_space<vmem>>
      %dma_start3A_763 = arith.constant 0 : i32
      %dma_start3A_764 = arith.constant 0 : i32
      %dma_start3A_765 = tpu.memref_slice %arg3[%dma_start3A_763, %dma_start3A_764] : memref<4x32xf32, #tpu.memory_space<hbm>> -> memref<4x32xf32, #tpu.memory_space<hbm>>
      tpu.enqueue_indirect_dma source(%dma_start3A_765 : memref<4x32xf32, #tpu.memory_space<hbm>>) target(%dma_start3A_759 : memref<128x32xf32, #tpu.memory_space<vmem>>) offsets(%dma_start3A_762 : memref<128xi32, #tpu.memory_space<vmem>>) semaphore(%arg11 : memref<!tpu.dma_semaphore, #tpu.memory_space<semaphore_mem>>)
      %dma_start3A_766 = arith.constant 9 : i32
      %dma_start3A_767 = arith.constant 1152 : i32
      %dma_start3A_768 = arith.constant 0 : i32
      %dma_start3A_769 = tpu.memref_slice %arg8[%dma_start3A_767, %dma_start3A_768] : memref<1280x32xf32, #tpu.memory_space<vmem>> -> memref<128x32xf32, #tpu.memory_space<vmem>>
      %dma_start3A_770 = arith.constant 0 : i32
      %dma_start3A_771 = tpu.memref_slice %arg6[%dma_start3A_766, %dma_start3A_770] : memref<10x128xi32, #tpu.memory_space<vmem>> -> memref<1x128xi32, #tpu.memory_space<vmem>>
      %dma_start3A_772 = tpu.memref_squeeze %dma_start3A_771 : memref<1x128xi32, #tpu.memory_space<vmem>> -> memref<128xi32, #tpu.memory_space<vmem>>
      %dma_start3A_773 = arith.constant 0 : i32
      %dma_start3A_774 = arith.constant 0 : i32
      %dma_start3A_775 = tpu.memref_slice %arg3[%dma_start3A_773, %dma_start3A_774] : memref<4x32xf32, #tpu.memory_space<hbm>> -> memref<4x32xf32, #tpu.memory_space<hbm>>
      tpu.enqueue_indirect_dma source(%dma_start3A_775 : memref<4x32xf32, #tpu.memory_space<hbm>>) target(%dma_start3A_769 : memref<128x32xf32, #tpu.memory_space<vmem>>) offsets(%dma_start3A_772 : memref<128xi32, #tpu.memory_space<vmem>>) semaphore(%arg11 : memref<!tpu.dma_semaphore, #tpu.memory_space<semaphore_mem>>)
      %dma_wait3A_776 = arith.constant 0 : i32
      %dma_wait3A_777 = arith.constant 0 : i32
      %dma_wait3A_778 = arith.constant 0 : i32
      %dma_wait3A_779 = tpu.memref_slice %arg8[%dma_wait3A_777, %dma_wait3A_778] : memref<1280x32xf32, #tpu.memory_space<vmem>> -> memref<128x32xf32, #tpu.memory_space<vmem>>
      %dma_wait3A_780 = arith.constant 0 : i32
      %dma_wait3A_781 = tpu.memref_slice %arg6[%dma_wait3A_776, %dma_wait3A_780] : memref<10x128xi32, #tpu.memory_space<vmem>> -> memref<1x128xi32, #tpu.memory_space<vmem>>
      %dma_wait3A_782 = tpu.memref_squeeze %dma_wait3A_781 : memref<1x128xi32, #tpu.memory_space<vmem>> -> memref<128xi32, #tpu.memory_space<vmem>>
      %dma_wait3A_783 = arith.constant 0 : i32
      %dma_wait3A_784 = arith.constant 0 : i32
      %dma_wait3A_785 = tpu.memref_slice %arg3[%dma_wait3A_783, %dma_wait3A_784] : memref<4x32xf32, #tpu.memory_space<hbm>> -> memref<4x32xf32, #tpu.memory_space<hbm>>
      tpu.wait_indirect_dma semaphore(%arg11 : memref<!tpu.dma_semaphore, #tpu.memory_space<semaphore_mem>>) src(%dma_wait3A_785 : memref<4x32xf32, #tpu.memory_space<hbm>>) dst(%dma_wait3A_779 : memref<128x32xf32, #tpu.memory_space<vmem>>)
      %dma_wait3A_786 = arith.constant 1 : i32
      %dma_wait3A_787 = arith.constant 128 : i32
      %dma_wait3A_788 = arith.constant 0 : i32
      %dma_wait3A_789 = tpu.memref_slice %arg8[%dma_wait3A_787, %dma_wait3A_788] : memref<1280x32xf32, #tpu.memory_space<vmem>> -> memref<128x32xf32, #tpu.memory_space<vmem>>
      %dma_wait3A_790 = arith.constant 0 : i32
      %dma_wait3A_791 = tpu.memref_slice %arg6[%dma_wait3A_786, %dma_wait3A_790] : memref<10x128xi32, #tpu.memory_space<vmem>> -> memref<1x128xi32, #tpu.memory_space<vmem>>
      %dma_wait3A_792 = tpu.memref_squeeze %dma_wait3A_791 : memref<1x128xi32, #tpu.memory_space<vmem>> -> memref<128xi32, #tpu.memory_space<vmem>>
      %dma_wait3A_793 = arith.constant 0 : i32
      %dma_wait3A_794 = arith.constant 0 : i32
      %dma_wait3A_795 = tpu.memref_slice %arg3[%dma_wait3A_793, %dma_wait3A_794] : memref<4x32xf32, #tpu.memory_space<hbm>> -> memref<4x32xf32, #tpu.memory_space<hbm>>
      tpu.wait_indirect_dma semaphore(%arg11 : memref<!tpu.dma_semaphore, #tpu.memory_space<semaphore_mem>>) src(%dma_wait3A_795 : memref<4x32xf32, #tpu.memory_space<hbm>>) dst(%dma_wait3A_789 : memref<128x32xf32, #tpu.memory_space<vmem>>)
      %dma_wait3A_796 = arith.constant 2 : i32
      %dma_wait3A_797 = arith.constant 256 : i32
      %dma_wait3A_798 = arith.constant 0 : i32
      %dma_wait3A_799 = tpu.memref_slice %arg8[%dma_wait3A_797, %dma_wait3A_798] : memref<1280x32xf32, #tpu.memory_space<vmem>> -> memref<128x32xf32, #tpu.memory_space<vmem>>
      %dma_wait3A_800 = arith.constant 0 : i32
      %dma_wait3A_801 = tpu.memref_slice %arg6[%dma_wait3A_796, %dma_wait3A_800] : memref<10x128xi32, #tpu.memory_space<vmem>> -> memref<1x128xi32, #tpu.memory_space<vmem>>
      %dma_wait3A_802 = tpu.memref_squeeze %dma_wait3A_801 : memref<1x128xi32, #tpu.memory_space<vmem>> -> memref<128xi32, #tpu.memory_space<vmem>>
      %dma_wait3A_803 = arith.constant 0 : i32
      %dma_wait3A_804 = arith.constant 0 : i32
      %dma_wait3A_805 = tpu.memref_slice %arg3[%dma_wait3A_803, %dma_wait3A_804] : memref<4x32xf32, #tpu.memory_space<hbm>> -> memref<4x32xf32, #tpu.memory_space<hbm>>
      tpu.wait_indirect_dma semaphore(%arg11 : memref<!tpu.dma_semaphore, #tpu.memory_space<semaphore_mem>>) src(%dma_wait3A_805 : memref<4x32xf32, #tpu.memory_space<hbm>>) dst(%dma_wait3A_799 : memref<128x32xf32, #tpu.memory_space<vmem>>)
      %dma_wait3A_806 = arith.constant 3 : i32
      %dma_wait3A_807 = arith.constant 384 : i32
      %dma_wait3A_808 = arith.constant 0 : i32
      %dma_wait3A_809 = tpu.memref_slice %arg8[%dma_wait3A_807, %dma_wait3A_808] : memref<1280x32xf32, #tpu.memory_space<vmem>> -> memref<128x32xf32, #tpu.memory_space<vmem>>
      %dma_wait3A_810 = arith.constant 0 : i32
      %dma_wait3A_811 = tpu.memref_slice %arg6[%dma_wait3A_806, %dma_wait3A_810] : memref<10x128xi32, #tpu.memory_space<vmem>> -> memref<1x128xi32, #tpu.memory_space<vmem>>
      %dma_wait3A_812 = tpu.memref_squeeze %dma_wait3A_811 : memref<1x128xi32, #tpu.memory_space<vmem>> -> memref<128xi32, #tpu.memory_space<vmem>>
      %dma_wait3A_813 = arith.constant 0 : i32
      %dma_wait3A_814 = arith.constant 0 : i32
      %dma_wait3A_815 = tpu.memref_slice %arg3[%dma_wait3A_813, %dma_wait3A_814] : memref<4x32xf32, #tpu.memory_space<hbm>> -> memref<4x32xf32, #tpu.memory_space<hbm>>
      tpu.wait_indirect_dma semaphore(%arg11 : memref<!tpu.dma_semaphore, #tpu.memory_space<semaphore_mem>>) src(%dma_wait3A_815 : memref<4x32xf32, #tpu.memory_space<hbm>>) dst(%dma_wait3A_809 : memref<128x32xf32, #tpu.memory_space<vmem>>)
      %dma_wait3A_816 = arith.constant 4 : i32
      %dma_wait3A_817 = arith.constant 512 : i32
      %dma_wait3A_818 = arith.constant 0 : i32
      %dma_wait3A_819 = tpu.memref_slice %arg8[%dma_wait3A_817, %dma_wait3A_818] : memref<1280x32xf32, #tpu.memory_space<vmem>> -> memref<128x32xf32, #tpu.memory_space<vmem>>
      %dma_wait3A_820 = arith.constant 0 : i32
      %dma_wait3A_821 = tpu.memref_slice %arg6[%dma_wait3A_816, %dma_wait3A_820] : memref<10x128xi32, #tpu.memory_space<vmem>> -> memref<1x128xi32, #tpu.memory_space<vmem>>
      %dma_wait3A_822 = tpu.memref_squeeze %dma_wait3A_821 : memref<1x128xi32, #tpu.memory_space<vmem>> -> memref<128xi32, #tpu.memory_space<vmem>>
      %dma_wait3A_823 = arith.constant 0 : i32
      %dma_wait3A_824 = arith.constant 0 : i32
      %dma_wait3A_825 = tpu.memref_slice %arg3[%dma_wait3A_823, %dma_wait3A_824] : memref<4x32xf32, #tpu.memory_space<hbm>> -> memref<4x32xf32, #tpu.memory_space<hbm>>
      tpu.wait_indirect_dma semaphore(%arg11 : memref<!tpu.dma_semaphore, #tpu.memory_space<semaphore_mem>>) src(%dma_wait3A_825 : memref<4x32xf32, #tpu.memory_space<hbm>>) dst(%dma_wait3A_819 : memref<128x32xf32, #tpu.memory_space<vmem>>)
      %dma_wait3A_826 = arith.constant 5 : i32
      %dma_wait3A_827 = arith.constant 640 : i32
      %dma_wait3A_828 = arith.constant 0 : i32
      %dma_wait3A_829 = tpu.memref_slice %arg8[%dma_wait3A_827, %dma_wait3A_828] : memref<1280x32xf32, #tpu.memory_space<vmem>> -> memref<128x32xf32, #tpu.memory_space<vmem>>
      %dma_wait3A_830 = arith.constant 0 : i32
      %dma_wait3A_831 = tpu.memref_slice %arg6[%dma_wait3A_826, %dma_wait3A_830] : memref<10x128xi32, #tpu.memory_space<vmem>> -> memref<1x128xi32, #tpu.memory_space<vmem>>
      %dma_wait3A_832 = tpu.memref_squeeze %dma_wait3A_831 : memref<1x128xi32, #tpu.memory_space<vmem>> -> memref<128xi32, #tpu.memory_space<vmem>>
      %dma_wait3A_833 = arith.constant 0 : i32
      %dma_wait3A_834 = arith.constant 0 : i32
      %dma_wait3A_835 = tpu.memref_slice %arg3[%dma_wait3A_833, %dma_wait3A_834] : memref<4x32xf32, #tpu.memory_space<hbm>> -> memref<4x32xf32, #tpu.memory_space<hbm>>
      tpu.wait_indirect_dma semaphore(%arg11 : memref<!tpu.dma_semaphore, #tpu.memory_space<semaphore_mem>>) src(%dma_wait3A_835 : memref<4x32xf32, #tpu.memory_space<hbm>>) dst(%dma_wait3A_829 : memref<128x32xf32, #tpu.memory_space<vmem>>)
      %dma_wait3A_836 = arith.constant 6 : i32
      %dma_wait3A_837 = arith.constant 768 : i32
      %dma_wait3A_838 = arith.constant 0 : i32
      %dma_wait3A_839 = tpu.memref_slice %arg8[%dma_wait3A_837, %dma_wait3A_838] : memref<1280x32xf32, #tpu.memory_space<vmem>> -> memref<128x32xf32, #tpu.memory_space<vmem>>
      %dma_wait3A_840 = arith.constant 0 : i32
      %dma_wait3A_841 = tpu.memref_slice %arg6[%dma_wait3A_836, %dma_wait3A_840] : memref<10x128xi32, #tpu.memory_space<vmem>> -> memref<1x128xi32, #tpu.memory_space<vmem>>
      %dma_wait3A_842 = tpu.memref_squeeze %dma_wait3A_841 : memref<1x128xi32, #tpu.memory_space<vmem>> -> memref<128xi32, #tpu.memory_space<vmem>>
      %dma_wait3A_843 = arith.constant 0 : i32
      %dma_wait3A_844 = arith.constant 0 : i32
      %dma_wait3A_845 = tpu.memref_slice %arg3[%dma_wait3A_843, %dma_wait3A_844] : memref<4x32xf32, #tpu.memory_space<hbm>> -> memref<4x32xf32, #tpu.memory_space<hbm>>
      tpu.wait_indirect_dma semaphore(%arg11 : memref<!tpu.dma_semaphore, #tpu.memory_space<semaphore_mem>>) src(%dma_wait3A_845 : memref<4x32xf32, #tpu.memory_space<hbm>>) dst(%dma_wait3A_839 : memref<128x32xf32, #tpu.memory_space<vmem>>)
      %dma_wait3A_846 = arith.constant 7 : i32
      %dma_wait3A_847 = arith.constant 896 : i32
      %dma_wait3A_848 = arith.constant 0 : i32
      %dma_wait3A_849 = tpu.memref_slice %arg8[%dma_wait3A_847, %dma_wait3A_848] : memref<1280x32xf32, #tpu.memory_space<vmem>> -> memref<128x32xf32, #tpu.memory_space<vmem>>
      %dma_wait3A_850 = arith.constant 0 : i32
      %dma_wait3A_851 = tpu.memref_slice %arg6[%dma_wait3A_846, %dma_wait3A_850] : memref<10x128xi32, #tpu.memory_space<vmem>> -> memref<1x128xi32, #tpu.memory_space<vmem>>
      %dma_wait3A_852 = tpu.memref_squeeze %dma_wait3A_851 : memref<1x128xi32, #tpu.memory_space<vmem>> -> memref<128xi32, #tpu.memory_space<vmem>>
      %dma_wait3A_853 = arith.constant 0 : i32
      %dma_wait3A_854 = arith.constant 0 : i32
      %dma_wait3A_855 = tpu.memref_slice %arg3[%dma_wait3A_853, %dma_wait3A_854] : memref<4x32xf32, #tpu.memory_space<hbm>> -> memref<4x32xf32, #tpu.memory_space<hbm>>
      tpu.wait_indirect_dma semaphore(%arg11 : memref<!tpu.dma_semaphore, #tpu.memory_space<semaphore_mem>>) src(%dma_wait3A_855 : memref<4x32xf32, #tpu.memory_space<hbm>>) dst(%dma_wait3A_849 : memref<128x32xf32, #tpu.memory_space<vmem>>)
      %dma_wait3A_856 = arith.constant 8 : i32
      %dma_wait3A_857 = arith.constant 1024 : i32
      %dma_wait3A_858 = arith.constant 0 : i32
      %dma_wait3A_859 = tpu.memref_slice %arg8[%dma_wait3A_857, %dma_wait3A_858] : memref<1280x32xf32, #tpu.memory_space<vmem>> -> memref<128x32xf32, #tpu.memory_space<vmem>>
      %dma_wait3A_860 = arith.constant 0 : i32
      %dma_wait3A_861 = tpu.memref_slice %arg6[%dma_wait3A_856, %dma_wait3A_860] : memref<10x128xi32, #tpu.memory_space<vmem>> -> memref<1x128xi32, #tpu.memory_space<vmem>>
      %dma_wait3A_862 = tpu.memref_squeeze %dma_wait3A_861 : memref<1x128xi32, #tpu.memory_space<vmem>> -> memref<128xi32, #tpu.memory_space<vmem>>
      %dma_wait3A_863 = arith.constant 0 : i32
      %dma_wait3A_864 = arith.constant 0 : i32
      %dma_wait3A_865 = tpu.memref_slice %arg3[%dma_wait3A_863, %dma_wait3A_864] : memref<4x32xf32, #tpu.memory_space<hbm>> -> memref<4x32xf32, #tpu.memory_space<hbm>>
      tpu.wait_indirect_dma semaphore(%arg11 : memref<!tpu.dma_semaphore, #tpu.memory_space<semaphore_mem>>) src(%dma_wait3A_865 : memref<4x32xf32, #tpu.memory_space<hbm>>) dst(%dma_wait3A_859 : memref<128x32xf32, #tpu.memory_space<vmem>>)
      %dma_wait3A_866 = arith.constant 9 : i32
      %dma_wait3A_867 = arith.constant 1152 : i32
      %dma_wait3A_868 = arith.constant 0 : i32
      %dma_wait3A_869 = tpu.memref_slice %arg8[%dma_wait3A_867, %dma_wait3A_868] : memref<1280x32xf32, #tpu.memory_space<vmem>> -> memref<128x32xf32, #tpu.memory_space<vmem>>
      %dma_wait3A_870 = arith.constant 0 : i32
      %dma_wait3A_871 = tpu.memref_slice %arg6[%dma_wait3A_866, %dma_wait3A_870] : memref<10x128xi32, #tpu.memory_space<vmem>> -> memref<1x128xi32, #tpu.memory_space<vmem>>
      %dma_wait3A_872 = tpu.memref_squeeze %dma_wait3A_871 : memref<1x128xi32, #tpu.memory_space<vmem>> -> memref<128xi32, #tpu.memory_space<vmem>>
      %dma_wait3A_873 = arith.constant 0 : i32
      %dma_wait3A_874 = arith.constant 0 : i32
      %dma_wait3A_875 = tpu.memref_slice %arg3[%dma_wait3A_873, %dma_wait3A_874] : memref<4x32xf32, #tpu.memory_space<hbm>> -> memref<4x32xf32, #tpu.memory_space<hbm>>
      tpu.wait_indirect_dma semaphore(%arg11 : memref<!tpu.dma_semaphore, #tpu.memory_space<semaphore_mem>>) src(%dma_wait3A_875 : memref<4x32xf32, #tpu.memory_space<hbm>>) dst(%dma_wait3A_869 : memref<128x32xf32, #tpu.memory_space<vmem>>)
      %add3A_876 = arith.constant 2 : i32
      %add3A_877 = arith.addi %add3A_663, %add3A_876 : i32
      %mul3A_878 = arith.constant 1280 : i32
      %mul3A_879 = arith.muli %add3A_877, %mul3A_878 : i32
      %add3A_880 = arith.addi %mul3A_2, %mul3A_879 : i32
      %dma_start3A_881 = arith.constant 0 : i32
      %dma_start3A_882 = tpu.memref_slice %arg4[%add3A_880, %dma_start3A_881] : memref<3276800x32xf32, #tpu.memory_space<hbm>> -> memref<1280x32xf32, #tpu.memory_space<hbm>>
      %dma_start3A_883 = arith.constant 0 : i32
      %dma_start3A_884 = tpu.memref_slice %arg4[%add3A_880, %dma_start3A_883] : memref<3276800x32xf32, #tpu.memory_space<hbm>> -> memref<1280x32xf32, #tpu.memory_space<hbm>>
      tpu.enqueue_dma source(%arg8 : memref<1280x32xf32, #tpu.memory_space<vmem>>) target(%dma_start3A_884 : memref<1280x32xf32, #tpu.memory_space<hbm>>) target_semaphore(%arg10 : memref<!tpu.dma_semaphore, #tpu.memory_space<semaphore_mem>>)
    }
    %scan3A_423 = arith.constant 39 : i32
    %add3A_424 = arith.constant 99840 : i32
    %add3A_425 = arith.addi %mul3A_2, %add3A_424 : i32
    %dma_wait3A_426 = arith.constant 0 : i32
    %dma_wait3A_427 = tpu.memref_slice %arg4[%add3A_425, %dma_wait3A_426] : memref<3276800x32xf32, #tpu.memory_space<hbm>> -> memref<1280x32xf32, #tpu.memory_space<hbm>>
    %dma_wait3A_428 = arith.constant 0 : i32
    %dma_wait3A_429 = tpu.memref_slice %arg4[%add3A_425, %dma_wait3A_428] : memref<3276800x32xf32, #tpu.memory_space<hbm>> -> memref<1280x32xf32, #tpu.memory_space<hbm>>
    tpu.wait_dma2 semaphore(%arg9 : memref<!tpu.dma_semaphore, #tpu.memory_space<semaphore_mem>>) src(%arg7 : memref<1280x32xf32, #tpu.memory_space<vmem>>) dst(%dma_wait3A_429 : memref<1280x32xf32, #tpu.memory_space<hbm>>)
    %add3A_430 = arith.constant 101120 : i32
    %add3A_431 = arith.addi %mul3A_2, %add3A_430 : i32
    %dma_wait3A_432 = arith.constant 0 : i32
    %dma_wait3A_433 = tpu.memref_slice %arg4[%add3A_431, %dma_wait3A_432] : memref<3276800x32xf32, #tpu.memory_space<hbm>> -> memref<1280x32xf32, #tpu.memory_space<hbm>>
    %dma_wait3A_434 = arith.constant 0 : i32
    %dma_wait3A_435 = tpu.memref_slice %arg4[%add3A_431, %dma_wait3A_434] : memref<3276800x32xf32, #tpu.memory_space<hbm>> -> memref<1280x32xf32, #tpu.memory_space<hbm>>
    tpu.wait_dma2 semaphore(%arg10 : memref<!tpu.dma_semaphore, #tpu.memory_space<semaphore_mem>>) src(%arg8 : memref<1280x32xf32, #tpu.memory_space<vmem>>) dst(%dma_wait3A_435 : memref<1280x32xf32, #tpu.memory_space<hbm>>)
    return
  }
}

</mosaic_0001>

<sc_bundles>
// kernel: kernel.3.cloned.1.call-start
scs
__scs_entry_jumppad:
0x0: {  	(pc) =	sbr.rel $0x88, $3  }
0x1: {  	(tag) =	ssettag $0x0;
	lr =	simm.s32 $0x1  }
0x2: {  	[smem:$0x3F9F] =	sst lr;
	_ =	strace $0xD0000000  }
0x3: {  	_ = 	snop  }
0x4: {  	_ = 	snop  }
0x5: {  	_ = 	snop  }
0x6: {  	_ = 	snop  }
0x7: {  	_ = 	snop  }
__scs_overlays_trampoline_lowered:
0x8: {  	[smem:$0x3FAE] =	sst s0  }
0x9: {  	[smem:$0x3FAF] =	sst s1  }
0xa: {  	[smem:$0x3FB0] =	sst s2  }
0xb: {  	[smem:$0x3FB1] =	sst s3  }
0xc: {  	[smem:$0x3FB2] =	sst s4  }
0xd: {  	[smem:$0x3FB3] =	sst s5  }
0xe: {  	[smem:$0x3FB4] =	sst s6  }
0xf: {  	[smem:$0x3FB5] =	sst s7  }
0x10: {  	[smem:$0x3FB6] =	sst s8  }
0x11: {  	[smem:$0x3FB7] =	sst s9;
	s0 =	simm.s32 @!p0 $0x0  }
0x12: {  	s1 =	sld [smem:$0x3F9D];
	s0 =	simm.s32 @p0 $0x1  }
0x13: {  	[smem:$0x3FB8] =	sst s0;
	s0 =	simm.s32 @!p1 $0x0  }
0x14: {  	s2 =	sld [smem:$0x3F9C];
	s0 =	simm.s32 @p1 $0x1  }
0x15: {  	[smem:$0x3FB9] =	sst s0;
	s0 =	simm.s32 @!p2 $0x0  }
0x16: {  	s3 =	sld [smem:$0x3FDB];
	s0 =	simm.s32 @p2 $0x1  }
0x17: {  	s4 =	simm.s32 $0x1BF5;
	[smem:$0x3FBB] =	sst s0  }
0x18: {  	s0 =	sld [smem:$0x3F9E];
	_ =	swait.ge [sflag:s4], $0x0  }
0x19: {  	s7 =	sld [smem:$0x3F9F]  }
0x1a: {  	s8 =	sadd.s32 $0xFFFFE003, lr  }
0x1b: {  	s9 =	sadd.s32 $0xFFFFFEF7, lr;
	s5 =	simm.s32 $0xFFFFFFFF;
	p2 =	slt.u32 s8, $0xFFFFF086  }
0x1c: {  	p1 =	slt.u32 s9, $0xF7A;
	s5 =	simm.s32 @!p2 $0x0  }
0x1d: {  	s5 =	simm.s32 @p1 $0x1;
	p0 =	seq.s32 s7, s2  }
0x1e: {  	s7 =	smul.u32 @!p0 $0xF7A, s2;
	p2 =	seq.s32 @!p0 s5, $0x0  }
0x1f: {  	s9 =	smul.u32 $0xF7A, s1;
	s8 =	simm.s32 @!p0 $0x1BF5;
	p2 =	por !p2, p0  }
0x20: {  	[sflag:s8] =	ssyncset.s32 @!p0 $0xFFFFF086;
	s6 =	sadd.s32 @!p0 s3, s7;
	s7 =	simm.s32 @!p0 $0x108  }
0x21: {  	s3 =	sadd.s32 s3, s9;
	s6 =	sadd.s32 @!p0 $0x88, s6;
	s7 =	simm.s32 @p2 $0x1082  }
0x22: {  	[simem:s7], [sflag:s8] =	dma.local @!p0 [hbm:s6], $0xF7A  }
0x23: {  	s9 =	sor.u32 $0xD0000000, s2;
	s6 =	simm.s32 $0x108;
	_ =	swait.ge @!p0 [sflag:s8], $0x0  }
0x24: {  	s3 =	sadd.s32 $0x88, s3;
	s6 =	simm.s32 @!p1 $0x1082;
	[sflag:s4] =	ssyncset.s32 $0xFFFFF086  }
0x25: {  	[simem:s6], [sflag:s4] =	dma.local [hbm:s3], $0xF7A  }
0x26: {  	[smem:$0x3F9F] =	sst s1;
	(tag) =	ssettag s2;
	_ =	strace s9  }
0x27: {  	s1 =	sld [smem:$0x3FAF]  }
0x28: {  	s2 =	sld [smem:$0x3FB0]  }
0x29: {  	s4 =	sld [smem:$0x3FB2]  }
0x2a: {  	p0 =	seq.s32 s5, $0x0;
	s5 =	sld [smem:$0x3FB3]  }
0x2b: {  	s6 =	sld [smem:$0x3FB4]  }
0x2c: {  	s7 =	sld [smem:$0x3FB5]  }
0x2d: {  	s3 =	simm.s32 $0x108;
	s8 =	sld [smem:$0x3FB6]  }
0x2e: {  	s3 =	simm.s32 @!p0 $0x1082;
	s9 =	sld [smem:$0x3FB7]  }
0x2f: {  	lr =	sadd.s32 s0, s3;
	s0 =	sld [smem:$0x3FAE]  }
0x30: {  	s3 =	sld [smem:$0x3FB1]  }
0x31: {  	[smem:$0x3FBA] =	sst s10  }
0x32: {  	s10 =	sld [smem:$0x3FB8];
	_ =	sdelay $0x3  }
0x33: {  	p0 =	seq.s32 s10, $0x1;
	s10 =	sld [smem:$0x3FBA];
	_ =	sdelay $0x3  }
0x34: {  	[smem:$0x3FBA] =	sst s10  }
0x35: {  	s10 =	sld [smem:$0x3FB9];
	_ =	sdelay $0x3  }
0x36: {  	p1 =	seq.s32 s10, $0x1;
	s10 =	sld [smem:$0x3FBA];
	_ =	sdelay $0x3  }
0x37: {  	[smem:$0x3FBA] =	sst s10  }
0x38: {  	s10 =	sld [smem:$0x3FBB]  }
0x39: {  	_ = 	snop;
	(pc) =	sbr.ind lr, $3  }
0x3a: {  	_ = 	snop  }
0x3b: {  	_ = 	snop  }
0x3c: {  	p2 =	seq.s32 s10, $0x1;
	s10 =	sld [smem:$0x3FBA]  }
0x3d: {  	_ =	shalt  }
0x3e: {  	_ =	shalt  }
0x3f: {  	_ =	shalt  }
0x40: {  	_ =	shalt  }
0x41: {  	_ =	shalt  }
0x42: {  	_ =	shalt  }
0x43: {  	_ =	shalt  }
0x44: {  	_ =	shalt  }
0x45: {  	_ =	shalt  }
0x46: {  	_ =	shalt  }
0x47: {  	_ =	shalt  }
0x48: {  	_ =	shalt  }
0x49: {  	_ =	shalt  }
0x4a: {  	_ =	shalt  }
0x4b: {  	_ =	shalt  }
0x4c: {  	_ =	shalt  }
0x4d: {  	_ =	shalt  }
0x4e: {  	_ =	shalt  }
0x4f: {  	_ =	shalt  }
0x50: {  	_ =	shalt  }
0x51: {  	_ =	shalt  }
0x52: {  	_ =	shalt  }
0x53: {  	_ =	shalt  }
0x54: {  	_ =	shalt  }
0x55: {  	_ =	shalt  }
0x56: {  	_ =	shalt  }
0x57: {  	_ =	shalt  }
0x58: {  	_ =	shalt  }
0x59: {  	_ =	shalt  }
0x5a: {  	_ =	shalt  }
0x5b: {  	_ =	shalt  }
0x5c: {  	_ =	shalt  }
0x5d: {  	_ =	shalt  }
0x5e: {  	_ =	shalt  }
0x5f: {  	_ =	shalt  }
0x60: {  	_ =	shalt  }
0x61: {  	_ =	shalt  }
0x62: {  	_ =	shalt  }
0x63: {  	_ =	shalt  }
0x64: {  	_ =	shalt  }
0x65: {  	_ =	shalt  }
0x66: {  	_ =	shalt  }
0x67: {  	_ =	shalt  }
0x68: {  	_ =	shalt  }
0x69: {  	_ =	shalt  }
0x6a: {  	_ =	shalt  }
0x6b: {  	_ =	shalt  }
0x6c: {  	_ =	shalt  }
0x6d: {  	_ =	shalt  }
0x6e: {  	_ =	shalt  }
0x6f: {  	_ =	shalt  }
0x70: {  	_ =	shalt  }
0x71: {  	_ =	shalt  }
0x72: {  	_ =	shalt  }
0x73: {  	_ =	shalt  }
0x74: {  	_ =	shalt  }
0x75: {  	_ =	shalt  }
0x76: {  	_ =	shalt  }
0x77: {  	_ =	shalt  }
0x78: {  	_ =	shalt  }
0x79: {  	_ =	shalt  }
0x7a: {  	_ =	shalt  }
0x7b: {  	_ =	shalt  }
0x7c: {  	_ =	shalt  }
0x7d: {  	_ =	shalt  }
0x7e: {  	_ =	shalt  }
0x7f: {  	_ =	shalt  }
0x80: {  	_ =	shalt  }
0x81: {  	_ =	shalt  }
0x82: {  	_ =	shalt  }
0x83: {  	_ =	shalt  }
0x84: {  	_ =	shalt  }
0x85: {  	_ =	shalt  }
0x86: {  	_ =	shalt  }
0x87: {  	_ =	shalt  }
.Lfunc_end0:
.L_simem_size_0:
called_computation.1_lowered:
.L_overlay_start_0:
0x88: {  	s2 =	sld [smem:$0x3FD9]  }
0x89: {  	s3 =	sld [smem:$0x3FFE];
	_ =	sdelay $0x1  }
0x8a: {  	s1 =	srdreg.scid  }
0x8b: {  	s0 =	sand.u32 $0x1, s1  }
0x8c: {  	s17 =	sshll.u32 s0, $0xA;
	s2 =	sadd.s32 s3, s2  }
0x8d: {  	s2 =	sadd.s32 s2, s17  }
0x8e: {  	[smem:$0x3FC6] =	sst s2  }
0x8f: {  	_ = 	snop  }
0x90: {  	s2 =	sld [smem:$0x3FD0];
	(tm) =	ssettm $0x1  }
0x91: {  	s18 =	sld [smem:$0x3FFB];
	_ =	sdelay $0x3  }
0x92: {  	_ =	strace s18  }
0x93: {  	s3 =	sld [smem:$0x3FFC];
	_ =	sdelay $0x3  }
0x94: {  	_ =	strace s3  }
0x95: {  	s3 =	sld [smem:$0x3FFD];
	_ =	sdelay $0x3  }
0x96: {  	_ =	strace s3  }
0x97: {  	_ =	strace $0x8FFFFFFF  }
0x98: {  	s19 =	sld [smem:$0x3FDB];
	_ =	sdelay $0x1  }
0x99: {  	s4 =	simm.s32 $_scs_section_size  }
0x9a: {  	s5 =	simm.s32 $_size__tile_overlayer_lowered;
	s6 =	simm.s32 $_tile_overlayer_lowered  }
0x9b: {  	s22 =	simm.s32 $0x1BFF;
	s21 =	sshll.u32 s6, $0x1;
	s3 =	sadd.s32 s4, s19  }
0x9c: {  	s7 =	simm.s32 $0x0;
	s20 =	sshll.u32 s5, $0x1;
	s5 =	sadd.s32 s21, s3  }
0x9d: {  	[timem:s7], [sflag:s22] =	dma.local [hbm:s5], s20  }
0x9e: {  	_ =	swait.ge [sflag:s22], s20  }
0x9f: {  	s4 =	ssub.s32 $0x0, s20;
	[sflag:s22] =	ssyncset.done $0x0  }
0xa0: {  	[sflag:s22] =	ssyncadd.s32 s4;
	_ =	sdelay $0x1  }
0xa1: {  	s23 =	simm.s32 $0x1B8B  }
0xa2: {  	_ =	swait.ge [sflag:s23], $0x1  }
0xa3: {  	[sflag:s23] =	ssyncset.done $0x0  }
0xa4: {  	s25 =	simm.s32 $0x1B8E;
	s24 =	sld [smem:$0x3FFE];
	[sflag:s23] =	ssyncadd.s32 $0xFFFFFFFF  }
0xa5: {  	s26 =	simm.s32 $execute0_lowered;
	[smem:$0x3FD2] =	sst s25  }
0xa6: {  	s5 =	sshll.u32 s26, $0x1;
	_ =	strace $0x80000046;
	[dreg:$0x1] =	wrdreg $0xFFFFFFFF  }
0xa7: {  	s28 =	simm.s32 $_size_execute0_lowered;
	s3 =	sadd.s32 s3, s5;
	[dreg:$0x0] =	wrdreg $0x0  }
0xa8: {  	s5 =	sshll.u32 s28, $0x1;
	[dreg:$0x2] =	wrdreg s3  }
0xa9: {  	[dreg:$0x3] =	wrdreg s5  }
0xaa: {  	[dreg:$0x4] =	wrdreg $0xC0  }
0xab: {  	_ =	task [dreg:s7], $0x5FFFF  }
0xac: {  	[dreg:$0x1] =	wrdreg $0xFFFFFFFF  }
0xad: {  	[dreg:$0x0] =	wrdreg $0x60  }
0xae: {  	[dreg:$0x2] =	wrdreg s24  }
0xaf: {  	[dreg:$0x3] =	wrdreg s2  }
0xb0: {  	[dreg:$0x4] =	wrdreg $0x9  }
0xb1: {  	_ =	task.clear_ibuf [dreg:s7], $0x5FFFF;
	_ =	strace $0x90000046  }
0xb2: {  	s29 =	simm.s32 $0x9;
	_ =	strace $0x80000048  }
0xb3: {  	_ =	swait.ge [sflag:s29], $0x1  }
0xb4: {  	[sflag:s29] =	ssyncadd.s32 $0xFFFFFFFF  }
0xb5: {  	_ =	strace $0x90000048  }
0xb6: {  	_ =	sfence  }
0xb7: {  	s30 =	sld [smem:$0x0];
	_ =	sdelay $0x2  }
0xb8: {  	s31 =	sshll.u32 s1, $0xD;
	s1 =	sshrl.u32 s1, $0x2  }
0xb9: {  	s3 =	sand.u32 $0x4000, s31;
	s1 =	sadd.s32 s1, s30  }
0xba: {  	s0 =	sor.u32 s3, s0;
	s1 =	sshll.u32 s1, $0x11  }
0xbb: {  	s0 =	sor.u32 s1, s0  }
0xbc: {  	s0 =	sadd.s32 $0x8F2B, s0  }
0xbd: {  	[sflag:s0] =	ssyncadd.remote.s32 $0x1  }
0xbe: {  	_ =	sfence.sel $0xFFFF  }
0xbf: {  	[dreg:$0x0] =	wrdreg $0xFFFFFFFF;
	(pc) =	sbr.abs _section_cstart, $3  }
0xc0: {  	[dreg:$0x1] =	wrdreg $0xFFFFFFFF  }
0xc1: {  	_ =	task.clear_ibuf [dreg:s7], $0x2FFFF;
	_ =	strace $0x9FFFFFFF  }
0xc2: {  	(tm) =	ssettm $0x7FFFFFFF  }
0xc3: {  	_ =	shalt  }
tec
execute0_lowered:
.L_overlay_start_1:
0x0: {  	(tag) =	ssettag $0x1  }
0x1: {  	s0 =	srdreg.scid  }
0x2: {  	s9 =	stileid.u32;
	s3 =	rddreg [dreg:$0x0]  }
0x3: {  	s5 =	rddreg [dreg:$0x1];
	s2 =	simm.s32 $0x0;
	s12 =	simm.s32 $0x80  }
0x4: {  	s13 =	simm.s32 $0xA00;
	s14 =	simm.s32 $0x3A00;
	s15 =	simm.s32 $0x200  }
0x5: {  	s16 =	simm.s32 $0x4A00;
	s17 =	simm.s32 $0x280;
	s18 =	simm.s32 $0x5A00  }
0x6: {  	s19 =	simm.s32 $0x300;
	s20 =	simm.s32 $0x6A00;
	s29 =	simm.s32 $0x9A00  }
0x7: {  	s30 =	simm.s32 $0x580;
	s31 =	simm.s32 $0xBA00;
	s6 =	smul.u32 $0x32000, s9  }
0x8: {  	s0 =	sand.u32 $0x1, s0;
	s1 =	sshll.u32 s9, $0x1;
	s9 =	smul.u32 $0x640, s9  }
0x9: {  	s28 =	simm.s32 $0x2;
	[smem:$0x7FF] =	sst s2;
	s7 =	smul.u32 $0x19000, s0  }
0xa: {  	s1 =	sor.u32 s0, s1;
	s8 =	ssub.s32 $0x2, s0;
	s0 =	smul.u32 $0x320, s0  }
0xb: {  	s10 =	sadd.s32 $0xA00, s3;
	s3 =	sadd.s32 $0x800, s3;
	s4 =	smul.u32 $0x3200, s1  }
0xc: {  	_ =	strace $0x80000047;
	s1 =	smul.u32 $0x64000, s1;
	s11 =	sshrl.u32 s8, $0x1  }
0xd: {  	s8 =	ssub.s32 s8, s11;
	s22 =	sadd.s32 s7, s6;
	s0 =	sadd.s32 s0, s9  }
0xe: {  	s11 =	simm.s32 $0x4;
	s9 =	simm.s32 $0x2A00;
	s6 =	simm.s32 $0xAA00  }
0xf: {  	s7 =	simm.s32 $0x600;
	s4 =	sadd.s32 s10, s4;
	s21 =	sadd.s32 s5, s1  }
0x10: {  	s1 =	sshll.u32 s22, $0x2;
	s0 =	sshll.u32 s0, $0x4;
	s24 =	smax.u32 s8, $0x1  }
0x11: {  	s8 =	simm.s32 $0x100;
	s22 =	simm.s32 $0x7A00;
	[dreg:$0x5] =	wrdreg s4  }
0x12: {  	s4 =	sadd.s32 $0xA0, s4;
	[dreg:$0x6] =	wrdreg s21;
	s23 =	sadd.s32 $0x1400, s21  }
0x13: {  	s1 =	sadd.s32 s1, s5;
	s0 =	sadd.s32 s0, s10;
	[dreg:$0x9] =	wrdreg s24  }
0x14: {  	s5 =	simm.s32 $0x1A00;
	s10 =	simm.s32 $0x180;
	[dreg:$0x7] =	wrdreg s4  }
0x15: {  	s21 =	simm.s32 $0x380;
	[dreg:$0x8] =	wrdreg s23;
	s25 =	sadd.s32 $0x2800, s1  }
0x16: {  	s24 =	simm.s32 $0x8A00;
	s26 =	sadd.s32 $0x140, s0;
	[dreg:$0xa] =	wrdreg s25  }
0x17: {  	s1 =	sadd.s32 $0x3C00, s1;
	s0 =	sadd.s32 $0x1E0, s0;
	[dreg:$0x3] =	wrdreg s26  }
0x18: {  	s23 =	simm.s32 $0x400;
	s4 =	simm.s32 $0x0;
	[dreg:$0xb] =	wrdreg s1  }
0x19: {  	[dreg:$0x4] =	wrdreg s0;
	s25 =	simm.s32 $0x480;
	s1 =	simm.s32 $0x3  }
0x1a: {  	s0 =	simm.s32 $0x500;
	s26 =	simm.s32 $0x1;
	[dreg:$0xc] =	wrdreg s4  }
.LBB2_1:
0x1b: {  	s4 =	rddreg [dreg:$0x5]  }
0x1c: {  	[tilespmem:s2], [sflag:$0x4] =	stream.linear.gather [hbm4b:s4+s2], $0x500, $0x38;
	[tilespmem:$0x14A00] =	vst v63  }
0x1d: {  	_ =	swait.ge [sflag:s11], $0x500  }
0x1e: {  	[sflag:s11] =	ssyncset.done $0x0  }
0x1f: {  	[sflag:s11] =	ssyncadd.s32 $0xFFFFFB00  }
0x20: {  	[tilespmem:s13], [sflag:$0x3] =	stream.indirect.gather [hbm4b:s3+s12], $0x20, s2, s12, $0xb8;
	[tilespmem:$0x14A00] =	vst v63  }
0x21: {  	_ = 	snop  }
0x22: {  	[tilespmem:s5], [sflag:$0x3] =	stream.indirect.gather [hbm4b:s3+s12], $0x20, s12, s12, $0xb8;
	[tilespmem:$0x14A00] =	vst v63  }
0x23: {  	_ = 	snop  }
0x24: {  	[tilespmem:s9], [sflag:$0x3] =	stream.indirect.gather [hbm4b:s3+s12], $0x20, s8, s12, $0xb8;
	[tilespmem:$0x14A00] =	vst v63  }
0x25: {  	_ = 	snop  }
0x26: {  	[tilespmem:s14], [sflag:$0x3] =	stream.indirect.gather [hbm4b:s3+s12], $0x20, s10, s12, $0xb8;
	[tilespmem:$0x14A00] =	vst v63  }
0x27: {  	_ = 	snop  }
0x28: {  	[tilespmem:s16], [sflag:$0x3] =	stream.indirect.gather [hbm4b:s3+s12], $0x20, s15, s12, $0xb8;
	[tilespmem:$0x14A00] =	vst v63  }
0x29: {  	_ = 	snop  }
0x2a: {  	[tilespmem:s18], [sflag:$0x3] =	stream.indirect.gather [hbm4b:s3+s12], $0x20, s17, s12, $0xb8;
	[tilespmem:$0x14A00] =	vst v63  }
0x2b: {  	_ = 	snop  }
0x2c: {  	[tilespmem:s20], [sflag:$0x3] =	stream.indirect.gather [hbm4b:s3+s12], $0x20, s19, s12, $0xb8;
	[tilespmem:$0x14A00] =	vst v63  }
0x2d: {  	_ = 	snop  }
0x2e: {  	[tilespmem:s22], [sflag:$0x3] =	stream.indirect.gather [hbm4b:s3+s12], $0x20, s21, s12, $0xb8;
	[tilespmem:$0x14A00] =	vst v63  }
0x2f: {  	_ = 	snop  }
0x30: {  	[tilespmem:s24], [sflag:$0x3] =	stream.indirect.gather [hbm4b:s3+s12], $0x20, s23, s12, $0xb8;
	[tilespmem:$0x14A00] =	vst v63  }
0x31: {  	_ = 	snop  }
0x32: {  	[tilespmem:s29], [sflag:$0x3] =	stream.indirect.gather [hbm4b:s3+s12], $0x20, s25, s12, $0xb8;
	[tilespmem:$0x14A00] =	vst v63  }
0x33: {  	_ =	swait.ge [sflag:s1], $0x1000  }
0x34: {  	[sflag:s1] =	ssyncset.done $0x0  }
0x35: {  	[sflag:s1] =	ssyncadd.s32 $0xFFFFF000  }
0x36: {  	_ =	swait.ge [sflag:s1], $0x1000  }
0x37: {  	[sflag:s1] =	ssyncset.done $0x0  }
0x38: {  	[sflag:s1] =	ssyncadd.s32 $0xFFFFF000  }
0x39: {  	_ =	swait.ge [sflag:s1], $0x1000  }
0x3a: {  	[sflag:s1] =	ssyncset.done $0x0  }
0x3b: {  	[sflag:s1] =	ssyncadd.s32 $0xFFFFF000  }
0x3c: {  	_ =	swait.ge [sflag:s1], $0x1000  }
0x3d: {  	[sflag:s1] =	ssyncset.done $0x0  }
0x3e: {  	[sflag:s1] =	ssyncadd.s32 $0xFFFFF000  }
0x3f: {  	_ =	swait.ge [sflag:s1], $0x1000  }
0x40: {  	[sflag:s1] =	ssyncset.done $0x0  }
0x41: {  	[sflag:s1] =	ssyncadd.s32 $0xFFFFF000  }
0x42: {  	_ =	swait.ge [sflag:s1], $0x1000  }
0x43: {  	[sflag:s1] =	ssyncset.done $0x0  }
0x44: {  	[sflag:s1] =	ssyncadd.s32 $0xFFFFF000  }
0x45: {  	_ =	swait.ge [sflag:s1], $0x1000  }
0x46: {  	[sflag:s1] =	ssyncset.done $0x0  }
0x47: {  	[sflag:s1] =	ssyncadd.s32 $0xFFFFF000  }
0x48: {  	_ =	swait.ge [sflag:s1], $0x1000  }
0x49: {  	[sflag:s1] =	ssyncset.done $0x0  }
0x4a: {  	[sflag:s1] =	ssyncadd.s32 $0xFFFFF000  }
0x4b: {  	_ =	swait.ge [sflag:s1], $0x1000  }
0x4c: {  	[sflag:s1] =	ssyncset.done $0x0  }
0x4d: {  	[sflag:s1] =	ssyncadd.s32 $0xFFFFF000  }
0x4e: {  	_ =	swait.ge [sflag:s1], $0x1000  }
0x4f: {  	[sflag:s1] =	ssyncset.done $0x0  }
0x50: {  	s4 =	rddreg [dreg:$0x6];
	[sflag:s1] =	ssyncadd.s32 $0xFFFFF000  }
0x51: {  	[hbm4b:s4+s2] =	stream.linear.scatter [tilespmem:s13], [sflag:$0x1], $0xA000, $0x38;
	[tilespmem:$0x14A00] =	vst v63  }
0x52: {  	s4 =	rddreg [dreg:$0x7]  }
0x53: {  	[tilespmem:s0], [sflag:$0x4] =	stream.linear.gather [hbm4b:s4+s2], $0x500, $0x38;
	[tilespmem:$0x14A00] =	vst v63  }
0x54: {  	_ =	swait.ge [sflag:s11], $0x500  }
0x55: {  	[sflag:s11] =	ssyncset.done $0x0  }
0x56: {  	[sflag:s11] =	ssyncadd.s32 $0xFFFFFB00  }
0x57: {  	[tilespmem:s6], [sflag:$0x3] =	stream.indirect.gather [hbm4b:s3+s12], $0x20, s0, s12, $0xb8;
	[tilespmem:$0x14A00] =	vst v63  }
0x58: {  	_ = 	snop  }
0x59: {  	[tilespmem:s31], [sflag:$0x3] =	stream.indirect.gather [hbm4b:s3+s12], $0x20, s30, s12, $0xb8;
	[tilespmem:$0x14A00] =	vst v63  }
0x5a: {  	s4 =	simm.s32 $0xCA00  }
0x5b: {  	[tilespmem:s4], [sflag:$0x3] =	stream.indirect.gather [hbm4b:s3+s12], $0x20, s7, s12, $0xb8;
	[tilespmem:$0x14A00] =	vst v63  }
0x5c: {  	s4 =	simm.s32 $0x680;
	s7 =	simm.s32 $0xDA00  }
0x5d: {  	[tilespmem:s7], [sflag:$0x3] =	stream.indirect.gather [hbm4b:s3+s12], $0x20, s4, s12, $0xb8;
	[tilespmem:$0x14A00] =	vst v63  }
0x5e: {  	s4 =	simm.s32 $0x700;
	s7 =	simm.s32 $0xEA00  }
0x5f: {  	[tilespmem:s7], [sflag:$0x3] =	stream.indirect.gather [hbm4b:s3+s12], $0x20, s4, s12, $0xb8;
	[tilespmem:$0x14A00] =	vst v63  }
0x60: {  	s4 =	simm.s32 $0x780;
	s7 =	simm.s32 $0xFA00  }
0x61: {  	[tilespmem:s7], [sflag:$0x3] =	stream.indirect.gather [hbm4b:s3+s12], $0x20, s4, s12, $0xb8;
	[tilespmem:$0x14A00] =	vst v63  }
0x62: {  	s4 =	simm.s32 $0x800;
	s7 =	simm.s32 $0x10A00  }
0x63: {  	[tilespmem:s7], [sflag:$0x3] =	stream.indirect.gather [hbm4b:s3+s12], $0x20, s4, s12, $0xb8;
	[tilespmem:$0x14A00] =	vst v63  }
0x64: {  	s4 =	simm.s32 $0x880;
	s7 =	simm.s32 $0x11A00  }
0x65: {  	[tilespmem:s7], [sflag:$0x3] =	stream.indirect.gather [hbm4b:s3+s12], $0x20, s4, s12, $0xb8;
	[tilespmem:$0x14A00] =	vst v63  }
0x66: {  	s4 =	simm.s32 $0x900;
	s7 =	simm.s32 $0x12A00  }
0x67: {  	[tilespmem:s7], [sflag:$0x3] =	stream.indirect.gather [hbm4b:s3+s12], $0x20, s4, s12, $0xb8;
	[tilespmem:$0x14A00] =	vst v63  }
0x68: {  	s4 =	simm.s32 $0x980;
	s7 =	simm.s32 $0x13A00  }
0x69: {  	[tilespmem:s7], [sflag:$0x3] =	stream.indirect.gather [hbm4b:s3+s12], $0x20, s4, s12, $0xb8;
	[tilespmem:$0x14A00] =	vst v63  }
0x6a: {  	_ =	swait.ge [sflag:s1], $0x1000  }
0x6b: {  	[sflag:s1] =	ssyncset.done $0x0  }
0x6c: {  	[sflag:s1] =	ssyncadd.s32 $0xFFFFF000  }
0x6d: {  	_ =	swait.ge [sflag:s1], $0x1000  }
0x6e: {  	[sflag:s1] =	ssyncset.done $0x0  }
0x6f: {  	[sflag:s1] =	ssyncadd.s32 $0xFFFFF000  }
0x70: {  	_ =	swait.ge [sflag:s1], $0x1000  }
0x71: {  	[sflag:s1] =	ssyncset.done $0x0  }
0x72: {  	[sflag:s1] =	ssyncadd.s32 $0xFFFFF000  }
0x73: {  	_ =	swait.ge [sflag:s1], $0x1000  }
0x74: {  	[sflag:s1] =	ssyncset.done $0x0  }
0x75: {  	[sflag:s1] =	ssyncadd.s32 $0xFFFFF000  }
0x76: {  	_ =	swait.ge [sflag:s1], $0x1000  }
0x77: {  	[sflag:s1] =	ssyncset.done $0x0  }
0x78: {  	[sflag:s1] =	ssyncadd.s32 $0xFFFFF000  }
0x79: {  	_ =	swait.ge [sflag:s1], $0x1000  }
0x7a: {  	[sflag:s1] =	ssyncset.done $0x0  }
0x7b: {  	[sflag:s1] =	ssyncadd.s32 $0xFFFFF000  }
0x7c: {  	_ =	swait.ge [sflag:s1], $0x1000  }
0x7d: {  	[sflag:s1] =	ssyncset.done $0x0  }
0x7e: {  	[sflag:s1] =	ssyncadd.s32 $0xFFFFF000  }
0x7f: {  	_ =	swait.ge [sflag:s1], $0x1000  }
0x80: {  	[sflag:s1] =	ssyncset.done $0x0  }
0x81: {  	[sflag:s1] =	ssyncadd.s32 $0xFFFFF000  }
0x82: {  	_ =	swait.ge [sflag:s1], $0x1000  }
0x83: {  	[sflag:s1] =	ssyncset.done $0x0  }
0x84: {  	[sflag:s1] =	ssyncadd.s32 $0xFFFFF000  }
0x85: {  	_ =	swait.ge [sflag:s1], $0x1000  }
0x86: {  	[sflag:s1] =	ssyncset.done $0x0  }
0x87: {  	s7 =	rddreg [dreg:$0x8];
	[sflag:s1] =	ssyncadd.s32 $0xFFFFF000  }
0x88: {  	[hbm4b:s7+s2] =	stream.linear.scatter [tilespmem:s6], [sflag:$0x2], $0xA000, $0x38;
	[tilespmem:$0x14A00] =	vst v63  }
0x89: {  	_ =	swait.ge [sflag:s26], $0xA000  }
0x8a: {  	s4 =	rddreg [dreg:$0x3];
	[sflag:s26] =	ssyncset.done $0x0  }
0x8b: {  	[sflag:s26] =	ssyncadd.s32 $0xFFFF6000;
	s7 =	sadd.s32 $0x0, s4  }
0x8c: {  	[tilespmem:s2], [sflag:$0x4] =	stream.linear.gather [hbm4b:s7+s2], $0x500, $0x38;
	[tilespmem:$0x14A00] =	vst v63  }
0x8d: {  	_ =	swait.ge [sflag:s11], $0x500  }
0x8e: {  	[sflag:s11] =	ssyncset.done $0x0  }
0x8f: {  	[sflag:s11] =	ssyncadd.s32 $0xFFFFFB00  }
0x90: {  	[tilespmem:s13], [sflag:$0x3] =	stream.indirect.gather [hbm4b:s3+s12], $0x20, s2, s12, $0xb8;
	[tilespmem:$0x14A00] =	vst v63  }
0x91: {  	_ = 	snop  }
0x92: {  	[tilespmem:s5], [sflag:$0x3] =	stream.indirect.gather [hbm4b:s3+s12], $0x20, s12, s12, $0xb8;
	[tilespmem:$0x14A00] =	vst v63  }
0x93: {  	_ = 	snop  }
0x94: {  	[tilespmem:s9], [sflag:$0x3] =	stream.indirect.gather [hbm4b:s3+s12], $0x20, s8, s12, $0xb8;
	[tilespmem:$0x14A00] =	vst v63  }
0x95: {  	_ = 	snop  }
0x96: {  	[tilespmem:s14], [sflag:$0x3] =	stream.indirect.gather [hbm4b:s3+s12], $0x20, s10, s12, $0xb8;
	[tilespmem:$0x14A00] =	vst v63  }
0x97: {  	_ = 	snop  }
0x98: {  	[tilespmem:s16], [sflag:$0x3] =	stream.indirect.gather [hbm4b:s3+s12], $0x20, s15, s12, $0xb8;
	[tilespmem:$0x14A00] =	vst v63  }
0x99: {  	_ = 	snop  }
0x9a: {  	[tilespmem:s18], [sflag:$0x3] =	stream.indirect.gather [hbm4b:s3+s12], $0x20, s17, s12, $0xb8;
	[tilespmem:$0x14A00] =	vst v63  }
0x9b: {  	_ = 	snop  }
0x9c: {  	[tilespmem:s20], [sflag:$0x3] =	stream.indirect.gather [hbm4b:s3+s12], $0x20, s19, s12, $0xb8;
	[tilespmem:$0x14A00] =	vst v63  }
0x9d: {  	_ = 	snop  }
0x9e: {  	[tilespmem:s22], [sflag:$0x3] =	stream.indirect.gather [hbm4b:s3+s12], $0x20, s21, s12, $0xb8;
	[tilespmem:$0x14A00] =	vst v63  }
0x9f: {  	_ = 	snop  }
0xa0: {  	[tilespmem:s24], [sflag:$0x3] =	stream.indirect.gather [hbm4b:s3+s12], $0x20, s23, s12, $0xb8;
	[tilespmem:$0x14A00] =	vst v63  }
0xa1: {  	_ = 	snop  }
0xa2: {  	[tilespmem:s29], [sflag:$0x3] =	stream.indirect.gather [hbm4b:s3+s12], $0x20, s25, s12, $0xb8;
	[tilespmem:$0x14A00] =	vst v63  }
0xa3: {  	_ =	swait.ge [sflag:s1], $0x1000  }
0xa4: {  	[sflag:s1] =	ssyncset.done $0x0  }
0xa5: {  	[sflag:s1] =	ssyncadd.s32 $0xFFFFF000  }
0xa6: {  	_ =	swait.ge [sflag:s1], $0x1000  }
0xa7: {  	[sflag:s1] =	ssyncset.done $0x0  }
0xa8: {  	[sflag:s1] =	ssyncadd.s32 $0xFFFFF000  }
0xa9: {  	_ =	swait.ge [sflag:s1], $0x1000  }
0xaa: {  	[sflag:s1] =	ssyncset.done $0x0  }
0xab: {  	[sflag:s1] =	ssyncadd.s32 $0xFFFFF000  }
0xac: {  	_ =	swait.ge [sflag:s1], $0x1000  }
0xad: {  	[sflag:s1] =	ssyncset.done $0x0  }
0xae: {  	[sflag:s1] =	ssyncadd.s32 $0xFFFFF000  }
0xaf: {  	_ =	swait.ge [sflag:s1], $0x1000  }
0xb0: {  	[sflag:s1] =	ssyncset.done $0x0  }
0xb1: {  	[sflag:s1] =	ssyncadd.s32 $0xFFFFF000  }
0xb2: {  	_ =	swait.ge [sflag:s1], $0x1000  }
0xb3: {  	[sflag:s1] =	ssyncset.done $0x0  }
0xb4: {  	[sflag:s1] =	ssyncadd.s32 $0xFFFFF000  }
0xb5: {  	_ =	swait.ge [sflag:s1], $0x1000  }
0xb6: {  	[sflag:s1] =	ssyncset.done $0x0  }
0xb7: {  	[sflag:s1] =	ssyncadd.s32 $0xFFFFF000  }
0xb8: {  	_ =	swait.ge [sflag:s1], $0x1000  }
0xb9: {  	[sflag:s1] =	ssyncset.done $0x0  }
0xba: {  	[sflag:s1] =	ssyncadd.s32 $0xFFFFF000  }
0xbb: {  	_ =	swait.ge [sflag:s1], $0x1000  }
0xbc: {  	[sflag:s1] =	ssyncset.done $0x0  }
0xbd: {  	[sflag:s1] =	ssyncadd.s32 $0xFFFFF000  }
0xbe: {  	_ =	swait.ge [sflag:s1], $0x1000  }
0xbf: {  	[sflag:s1] =	ssyncset.done $0x0  }
0xc0: {  	s4 =	rddreg [dreg:$0xa];
	[sflag:s1] =	ssyncadd.s32 $0xFFFFF000  }
0xc1: {  	[hbm4b:s4+s2] =	stream.linear.scatter [tilespmem:s13], [sflag:$0x1], $0xA000, $0x38;
	[tilespmem:$0x14A00] =	vst v63  }
0xc2: {  	_ =	swait.ge [sflag:s28], $0xA000  }
0xc3: {  	s5 =	rddreg [dreg:$0x4];
	[sflag:s28] =	ssyncset.done $0x0  }
0xc4: {  	[sflag:s28] =	ssyncadd.s32 $0xFFFF6000;
	s7 =	sadd.s32 $0x0, s5  }
0xc5: {  	[tilespmem:s0], [sflag:$0x4] =	stream.linear.gather [hbm4b:s7+s2], $0x500, $0x38;
	[tilespmem:$0x14A00] =	vst v63  }
0xc6: {  	_ =	swait.ge [sflag:s11], $0x500  }
0xc7: {  	[sflag:s11] =	ssyncset.done $0x0  }
0xc8: {  	[sflag:s11] =	ssyncadd.s32 $0xFFFFFB00  }
0xc9: {  	[tilespmem:s6], [sflag:$0x3] =	stream.indirect.gather [hbm4b:s3+s12], $0x20, s0, s12, $0xb8;
	[tilespmem:$0x14A00] =	vst v63  }
0xca: {  	_ = 	snop  }
0xcb: {  	[tilespmem:s31], [sflag:$0x3] =	stream.indirect.gather [hbm4b:s3+s12], $0x20, s30, s12, $0xb8;
	[tilespmem:$0x14A00] =	vst v63  }
0xcc: {  	s8 =	simm.s32 $0x600;
	s7 =	simm.s32 $0xCA00  }
0xcd: {  	[tilespmem:s7], [sflag:$0x3] =	stream.indirect.gather [hbm4b:s3+s12], $0x20, s8, s12, $0xb8;
	[tilespmem:$0x14A00] =	vst v63  }
0xce: {  	s9 =	simm.s32 $0x680;
	s10 =	simm.s32 $0xDA00  }
0xcf: {  	[tilespmem:s10], [sflag:$0x3] =	stream.indirect.gather [hbm4b:s3+s12], $0x20, s9, s12, $0xb8;
	[tilespmem:$0x14A00] =	vst v63  }
0xd0: {  	s14 =	simm.s32 $0x700;
	s15 =	simm.s32 $0xEA00  }
0xd1: {  	[tilespmem:s15], [sflag:$0x3] =	stream.indirect.gather [hbm4b:s3+s12], $0x20, s14, s12, $0xb8;
	[tilespmem:$0x14A00] =	vst v63  }
0xd2: {  	s16 =	simm.s32 $0x780;
	s17 =	simm.s32 $0xFA00  }
0xd3: {  	[tilespmem:s17], [sflag:$0x3] =	stream.indirect.gather [hbm4b:s3+s12], $0x20, s16, s12, $0xb8;
	[tilespmem:$0x14A00] =	vst v63  }
0xd4: {  	s18 =	simm.s32 $0x800;
	s19 =	simm.s32 $0x10A00  }
0xd5: {  	[tilespmem:s19], [sflag:$0x3] =	stream.indirect.gather [hbm4b:s3+s12], $0x20, s18, s12, $0xb8;
	[tilespmem:$0x14A00] =	vst v63  }
0xd6: {  	s20 =	simm.s32 $0x880;
	s21 =	simm.s32 $0x11A00  }
0xd7: {  	[tilespmem:s21], [sflag:$0x3] =	stream.indirect.gather [hbm4b:s3+s12], $0x20, s20, s12, $0xb8;
	[tilespmem:$0x14A00] =	vst v63  }
0xd8: {  	s22 =	simm.s32 $0x900;
	s23 =	simm.s32 $0x12A00  }
0xd9: {  	[tilespmem:s23], [sflag:$0x3] =	stream.indirect.gather [hbm4b:s3+s12], $0x20, s22, s12, $0xb8;
	[tilespmem:$0x14A00] =	vst v63  }
0xda: {  	s24 =	simm.s32 $0x980;
	s25 =	simm.s32 $0x13A00  }
0xdb: {  	[tilespmem:s25], [sflag:$0x3] =	stream.indirect.gather [hbm4b:s3+s12], $0x20, s24, s12, $0xb8;
	[tilespmem:$0x14A00] =	vst v63  }
0xdc: {  	_ =	swait.ge [sflag:s1], $0x1000  }
0xdd: {  	[sflag:s1] =	ssyncset.done $0x0  }
0xde: {  	[sflag:s1] =	ssyncadd.s32 $0xFFFFF000  }
0xdf: {  	_ =	swait.ge [sflag:s1], $0x1000  }
0xe0: {  	[sflag:s1] =	ssyncset.done $0x0  }
0xe1: {  	[sflag:s1] =	ssyncadd.s32 $0xFFFFF000  }
0xe2: {  	_ =	swait.ge [sflag:s1], $0x1000  }
0xe3: {  	[sflag:s1] =	ssyncset.done $0x0  }
0xe4: {  	[sflag:s1] =	ssyncadd.s32 $0xFFFFF000  }
0xe5: {  	_ =	swait.ge [sflag:s1], $0x1000  }
0xe6: {  	[sflag:s1] =	ssyncset.done $0x0  }
0xe7: {  	[sflag:s1] =	ssyncadd.s32 $0xFFFFF000  }
0xe8: {  	_ =	swait.ge [sflag:s1], $0x1000  }
0xe9: {  	[sflag:s1] =	ssyncset.done $0x0  }
0xea: {  	[sflag:s1] =	ssyncadd.s32 $0xFFFFF000  }
0xeb: {  	_ =	swait.ge [sflag:s1], $0x1000  }
0xec: {  	[sflag:s1] =	ssyncset.done $0x0  }
0xed: {  	[sflag:s1] =	ssyncadd.s32 $0xFFFFF000  }
0xee: {  	_ =	swait.ge [sflag:s1], $0x1000  }
0xef: {  	[sflag:s1] =	ssyncset.done $0x0  }
0xf0: {  	s29 =	simm.s32 $0x140;
	[sflag:s1] =	ssyncadd.s32 $0xFFFFF000  }
0xf1: {  	s5 =	simm.s32 $0x480;
	s30 =	sadd.s32 $0x2800, s4;
	_ =	swait.ge [sflag:s1], $0x1000  }
0xf2: {  	s10 =	simm.s32 $0x2A00;
	s9 =	simm.s32 $0x100;
	[sflag:s1] =	ssyncset.done $0x0  }
0xf3: {  	s15 =	simm.s32 $0x3A00;
	s14 =	simm.s32 $0x180;
	[sflag:s1] =	ssyncadd.s32 $0xFFFFF000  }
0xf4: {  	s17 =	simm.s32 $0x4A00;
	s16 =	simm.s32 $0x200;
	_ =	swait.ge [sflag:s1], $0x1000  }
0xf5: {  	s19 =	simm.s32 $0x5A00;
	s18 =	simm.s32 $0x280;
	[sflag:s1] =	ssyncset.done $0x0  }
0xf6: {  	s21 =	simm.s32 $0x6A00;
	s20 =	simm.s32 $0x300;
	[sflag:s1] =	ssyncadd.s32 $0xFFFFF000  }
0xf7: {  	s23 =	simm.s32 $0x7A00;
	s22 =	simm.s32 $0x380;
	_ =	swait.ge [sflag:s1], $0x1000  }
0xf8: {  	s25 =	simm.s32 $0x8A00;
	[sflag:s1] =	ssyncset.done $0x0;
	s7 =	rddreg [dreg:$0xb]  }
0xf9: {  	s24 =	simm.s32 $0x400;
	[sflag:s1] =	ssyncadd.s32 $0xFFFFF000;
	s31 =	sadd.s32 $0x2800, s7  }
.LBB2_2:
0xfa: {  	[hbm4b:s7+s2] =	stream.linear.scatter [tilespmem:s6], [sflag:$0x2], $0xA000, $0x38;
	[tilespmem:$0x14A00] =	vst v63  }
0xfb: {  	_ =	swait.ge [sflag:s26], $0xA000  }
0xfc: {  	s8 =	smov.u32 s29;
	s4 =	rddreg [dreg:$0x3];
	[sflag:s26] =	ssyncset.done $0x0  }
0xfd: {  	[sflag:s26] =	ssyncadd.s32 $0xFFFF6000;
	s4 =	sadd.s32 s8, s4  }
0xfe: {  	[tilespmem:s2], [sflag:$0x4] =	stream.linear.gather [hbm4b:s4+s2], $0x500, $0x38;
	[tilespmem:$0x14A00] =	vst v63  }
0xff: {  	_ =	swait.ge [sflag:s11], $0x500  }
0x100: {  	[sflag:s11] =	ssyncset.done $0x0  }
0x101: {  	[sflag:s11] =	ssyncadd.s32 $0xFFFFFB00  }
0x102: {  	[tilespmem:s13], [sflag:$0x3] =	stream.indirect.gather [hbm4b:s3+s12], $0x20, s2, s12, $0xb8;
	[tilespmem:$0x14A00] =	vst v63  }
0x103: {  	s4 =	simm.s32 $0x1A00  }
0x104: {  	[tilespmem:s4], [sflag:$0x3] =	stream.indirect.gather [hbm4b:s3+s12], $0x20, s12, s12, $0xb8;
	[tilespmem:$0x14A00] =	vst v63  }
0x105: {  	_ = 	snop  }
0x106: {  	[tilespmem:s10], [sflag:$0x3] =	stream.indirect.gather [hbm4b:s3+s12], $0x20, s9, s12, $0xb8;
	[tilespmem:$0x14A00] =	vst v63  }
0x107: {  	_ = 	snop  }
0x108: {  	[tilespmem:s15], [sflag:$0x3] =	stream.indirect.gather [hbm4b:s3+s12], $0x20, s14, s12, $0xb8;
	[tilespmem:$0x14A00] =	vst v63  }
0x109: {  	_ = 	snop  }
0x10a: {  	[tilespmem:s17], [sflag:$0x3] =	stream.indirect.gather [hbm4b:s3+s12], $0x20, s16, s12, $0xb8;
	[tilespmem:$0x14A00] =	vst v63  }
0x10b: {  	_ = 	snop  }
0x10c: {  	[tilespmem:s19], [sflag:$0x3] =	stream.indirect.gather [hbm4b:s3+s12], $0x20, s18, s12, $0xb8;
	[tilespmem:$0x14A00] =	vst v63  }
0x10d: {  	_ = 	snop  }
0x10e: {  	[tilespmem:s21], [sflag:$0x3] =	stream.indirect.gather [hbm4b:s3+s12], $0x20, s20, s12, $0xb8;
	[tilespmem:$0x14A00] =	vst v63  }
0x10f: {  	_ = 	snop  }
0x110: {  	[tilespmem:s23], [sflag:$0x3] =	stream.indirect.gather [hbm4b:s3+s12], $0x20, s22, s12, $0xb8;
	[tilespmem:$0x14A00] =	vst v63  }
0x111: {  	_ = 	snop  }
0x112: {  	[tilespmem:s25], [sflag:$0x3] =	stream.indirect.gather [hbm4b:s3+s12], $0x20, s24, s12, $0xb8;
	[tilespmem:$0x14A00] =	vst v63  }
0x113: {  	s4 =	simm.s32 $0x9A00  }
0x114: {  	[tilespmem:s4], [sflag:$0x3] =	stream.indirect.gather [hbm4b:s3+s12], $0x20, s5, s12, $0xb8;
	[tilespmem:$0x14A00] =	vst v63  }
0x115: {  	_ =	swait.ge [sflag:s1], $0x1000  }
0x116: {  	[sflag:s1] =	ssyncset.done $0x0  }
0x117: {  	[sflag:s1] =	ssyncadd.s32 $0xFFFFF000  }
0x118: {  	_ =	swait.ge [sflag:s1], $0x1000  }
0x119: {  	[sflag:s1] =	ssyncset.done $0x0  }
0x11a: {  	[sflag:s1] =	ssyncadd.s32 $0xFFFFF000  }
0x11b: {  	_ =	swait.ge [sflag:s1], $0x1000  }
0x11c: {  	[sflag:s1] =	ssyncset.done $0x0  }
0x11d: {  	[sflag:s1] =	ssyncadd.s32 $0xFFFFF000  }
0x11e: {  	_ =	swait.ge [sflag:s1], $0x1000  }
0x11f: {  	[sflag:s1] =	ssyncset.done $0x0  }
0x120: {  	[sflag:s1] =	ssyncadd.s32 $0xFFFFF000  }
0x121: {  	_ =	swait.ge [sflag:s1], $0x1000  }
0x122: {  	[sflag:s1] =	ssyncset.done $0x0  }
0x123: {  	[sflag:s1] =	ssyncadd.s32 $0xFFFFF000  }
0x124: {  	_ =	swait.ge [sflag:s1], $0x1000  }
0x125: {  	[sflag:s1] =	ssyncset.done $0x0  }
0x126: {  	[sflag:s1] =	ssyncadd.s32 $0xFFFFF000  }
0x127: {  	_ =	swait.ge [sflag:s1], $0x1000  }
0x128: {  	[sflag:s1] =	ssyncset.done $0x0  }
0x129: {  	[sflag:s1] =	ssyncadd.s32 $0xFFFFF000  }
0x12a: {  	_ =	swait.ge [sflag:s1], $0x1000  }
0x12b: {  	[sflag:s1] =	ssyncset.done $0x0  }
0x12c: {  	[sflag:s1] =	ssyncadd.s32 $0xFFFFF000  }
0x12d: {  	_ =	swait.ge [sflag:s1], $0x1000  }
0x12e: {  	[sflag:s1] =	ssyncset.done $0x0  }
0x12f: {  	[sflag:s1] =	ssyncadd.s32 $0xFFFFF000  }
0x130: {  	_ =	swait.ge [sflag:s1], $0x1000  }
0x131: {  	[sflag:s1] =	ssyncset.done $0x0  }
0x132: {  	[sflag:s1] =	ssyncadd.s32 $0xFFFFF000  }
0x133: {  	[hbm4b:s30+s2] =	stream.linear.scatter [tilespmem:s13], [sflag:$0x1], $0xA000, $0x38;
	[tilespmem:$0x14A00] =	vst v63  }
0x134: {  	_ =	swait.ge [sflag:s28], $0xA000  }
0x135: {  	s4 =	rddreg [dreg:$0x4];
	[sflag:s28] =	ssyncset.done $0x0  }
0x136: {  	[sflag:s28] =	ssyncadd.s32 $0xFFFF6000;
	s4 =	sadd.s32 s8, s4  }
0x137: {  	[tilespmem:s0], [sflag:$0x4] =	stream.linear.gather [hbm4b:s4+s2], $0x500, $0x38;
	[tilespmem:$0x14A00] =	vst v63  }
0x138: {  	_ =	swait.ge [sflag:s11], $0x500  }
0x139: {  	[sflag:s11] =	ssyncset.done $0x0  }
0x13a: {  	[sflag:s11] =	ssyncadd.s32 $0xFFFFFB00  }
0x13b: {  	[tilespmem:s6], [sflag:$0x3] =	stream.indirect.gather [hbm4b:s3+s12], $0x20, s0, s12, $0xb8;
	[tilespmem:$0x14A00] =	vst v63  }
0x13c: {  	s8 =	simm.s32 $0xBA00;
	s4 =	simm.s32 $0x580  }
0x13d: {  	[tilespmem:s8], [sflag:$0x3] =	stream.indirect.gather [hbm4b:s3+s12], $0x20, s4, s12, $0xb8;
	[tilespmem:$0x14A00] =	vst v63  }
0x13e: {  	s4 =	simm.s32 $0xCA00;
	s8 =	simm.s32 $0x600  }
0x13f: {  	[tilespmem:s4], [sflag:$0x3] =	stream.indirect.gather [hbm4b:s3+s12], $0x20, s8, s12, $0xb8;
	[tilespmem:$0x14A00] =	vst v63  }
0x140: {  	s4 =	simm.s32 $0x680;
	s8 =	simm.s32 $0xDA00  }
0x141: {  	[tilespmem:s8], [sflag:$0x3] =	stream.indirect.gather [hbm4b:s3+s12], $0x20, s4, s12, $0xb8;
	[tilespmem:$0x14A00] =	vst v63  }
0x142: {  	s4 =	simm.s32 $0x700;
	s8 =	simm.s32 $0xEA00  }
0x143: {  	[tilespmem:s8], [sflag:$0x3] =	stream.indirect.gather [hbm4b:s3+s12], $0x20, s4, s12, $0xb8;
	[tilespmem:$0x14A00] =	vst v63  }
0x144: {  	s4 =	simm.s32 $0x780;
	s8 =	simm.s32 $0xFA00  }
0x145: {  	[tilespmem:s8], [sflag:$0x3] =	stream.indirect.gather [hbm4b:s3+s12], $0x20, s4, s12, $0xb8;
	[tilespmem:$0x14A00] =	vst v63  }
0x146: {  	s4 =	simm.s32 $0x800;
	s8 =	simm.s32 $0x10A00  }
0x147: {  	[tilespmem:s8], [sflag:$0x3] =	stream.indirect.gather [hbm4b:s3+s12], $0x20, s4, s12, $0xb8;
	[tilespmem:$0x14A00] =	vst v63  }
0x148: {  	s4 =	simm.s32 $0x880;
	s8 =	simm.s32 $0x11A00  }
0x149: {  	[tilespmem:s8], [sflag:$0x3] =	stream.indirect.gather [hbm4b:s3+s12], $0x20, s4, s12, $0xb8;
	[tilespmem:$0x14A00] =	vst v63  }
0x14a: {  	s4 =	simm.s32 $0x900;
	s8 =	simm.s32 $0x12A00  }
0x14b: {  	[tilespmem:s8], [sflag:$0x3] =	stream.indirect.gather [hbm4b:s3+s12], $0x20, s4, s12, $0xb8;
	[tilespmem:$0x14A00] =	vst v63  }
0x14c: {  	s4 =	simm.s32 $0x980;
	s8 =	simm.s32 $0x13A00  }
0x14d: {  	[tilespmem:s8], [sflag:$0x3] =	stream.indirect.gather [hbm4b:s3+s12], $0x20, s4, s12, $0xb8;
	[tilespmem:$0x14A00] =	vst v63  }
0x14e: {  	_ =	swait.ge [sflag:s1], $0x1000  }
0x14f: {  	[sflag:s1] =	ssyncset.done $0x0  }
0x150: {  	[sflag:s1] =	ssyncadd.s32 $0xFFFFF000  }
0x151: {  	_ =	swait.ge [sflag:s1], $0x1000  }
0x152: {  	[sflag:s1] =	ssyncset.done $0x0  }
0x153: {  	[sflag:s1] =	ssyncadd.s32 $0xFFFFF000  }
0x154: {  	_ =	swait.ge [sflag:s1], $0x1000  }
0x155: {  	[sflag:s1] =	ssyncset.done $0x0  }
0x156: {  	[sflag:s1] =	ssyncadd.s32 $0xFFFFF000  }
0x157: {  	_ =	swait.ge [sflag:s1], $0x1000  }
0x158: {  	[sflag:s1] =	ssyncset.done $0x0  }
0x159: {  	[sflag:s1] =	ssyncadd.s32 $0xFFFFF000  }
0x15a: {  	_ =	swait.ge [sflag:s1], $0x1000  }
0x15b: {  	[sflag:s1] =	ssyncset.done $0x0  }
0x15c: {  	[sflag:s1] =	ssyncadd.s32 $0xFFFFF000  }
0x15d: {  	_ =	swait.ge [sflag:s1], $0x1000  }
0x15e: {  	[sflag:s1] =	ssyncset.done $0x0  }
0x15f: {  	[sflag:s1] =	ssyncadd.s32 $0xFFFFF000  }
0x160: {  	_ =	swait.ge [sflag:s1], $0x1000  }
0x161: {  	[sflag:s1] =	ssyncset.done $0x0  }
0x162: {  	[sflag:s1] =	ssyncadd.s32 $0xFFFFF000  }
0x163: {  	_ =	swait.ge [sflag:s1], $0x1000  }
0x164: {  	[sflag:s1] =	ssyncset.done $0x0  }
0x165: {  	[sflag:s1] =	ssyncadd.s32 $0xFFFFF000  }
0x166: {  	p0 =	sne.s32 s29, $0x2F80;
	_ =	swait.ge [sflag:s1], $0x1000  }
.Ltmp0:
0x167: {  	[sflag:s1] =	ssyncset.done $0x0;
	(pc) =	sbr.rel @p0 .LBB2_2-.Ltmp0, $4  }
0x168: {  	[sflag:s1] =	ssyncadd.s32 $0xFFFFF000  }
0x169: {  	_ =	swait.ge [sflag:s1], $0x1000  }
0x16a: {  	s7 =	smov.u32 s31;
	s29 =	sadd.s32 $0x140, s29;
	[sflag:s1] =	ssyncset.done $0x0  }
0x16b: {  	s31 =	sadd.s32 $0x2800, s31;
	s30 =	sadd.s32 $0x2800, s30;
	[sflag:s1] =	ssyncadd.s32 $0xFFFFF000  }
0x16c: {  	[hbm4b:s7+s2] =	stream.linear.scatter [tilespmem:s6], [sflag:$0x2], $0xA000, $0x38;
	[tilespmem:$0x14A00] =	vst v63  }
0x16d: {  	_ =	swait.ge [sflag:s26], $0xA000  }
0x16e: {  	[sflag:s26] =	ssyncset.done $0x0  }
0x16f: {  	s8 =	simm.s32 $0x100;
	s9 =	simm.s32 $0x2A00;
	[sflag:s26] =	ssyncadd.s32 $0xFFFF6000  }
0x170: {  	s10 =	simm.s32 $0x180;
	s14 =	simm.s32 $0x3A00;
	_ =	swait.ge [sflag:s28], $0xA000  }
0x171: {  	s15 =	simm.s32 $0x200;
	s16 =	simm.s32 $0x4A00;
	s5 =	rddreg [dreg:$0xc]  }
0x172: {  	s17 =	simm.s32 $0x280;
	s4 =	rddreg [dreg:$0x9];
	s5 =	sadd.s32 $0x1, s5  }
0x173: {  	s18 =	simm.s32 $0x5A00;
	s19 =	simm.s32 $0x300;
	p0 =	sne.s32 s5, s4  }
.Ltmp1:
0x174: {  	s20 =	simm.s32 $0x6A00;
	s21 =	simm.s32 $0x380;
	(pc) =	sbr.rel @p0 .LBB2_1-.Ltmp1, $4  }
0x175: {  	s22 =	simm.s32 $0x7A00;
	s23 =	simm.s32 $0x400;
	s24 =	simm.s32 $0x8A00  }
0x176: {  	s25 =	simm.s32 $0x480;
	s29 =	simm.s32 $0x9A00;
	s30 =	simm.s32 $0x580  }
0x177: {  	s31 =	simm.s32 $0xBA00;
	s7 =	simm.s32 $0x600;
	[sflag:s28] =	ssyncset.done $0x0  }
0x178: {  	[sflag:s28] =	ssyncadd.s32 $0xFFFF6000;
	[dreg:$0xc] =	wrdreg s5;
	s5 =	simm.s32 $0x1A00  }
0x179: {  	_ =	sfence.sel $0x180000  }
0x17a: {  	[bflag:$0x0] =	sbarrier.arrive $0xFFFF  }
0x17b: {  	_ =	strace $0x90000047  }
0x17c: {  	s0 =	stileid.u32;
	[bflag:$0x2] =	sbarrier.arrive $0xFFFF  }
0x17d: {  	p0 =	sne.s32 s0, $0x0;
	s0 =	rddreg [dreg:$0x2]  }
0x17e: {  	s0 =	sadd.s32 @!p0 $0x100000, s0  }
0x17f: {  	[sflag:s0] =	ssyncadd.tile.s32 @!p0 $0x1;
	_ =	shalt  }
.Lfunc_end2:
_tile_overlayer_lowered:
.L_overlay_start_2:
0x180: {  	(tag) =	ssettag $0x2  }
0x181: {  	s0 =	rddreg [dreg:$0x0];
	s2 =	stileid.u32  }
0x182: {  	s1 =	rddreg [dreg:$0x1];
	p0 =	sne.s32 s2, $0x0  }
0x183: {  	s3 =	rddreg [dreg:$0x2];
	[bflag:$0x3] =	sbarrier.arrive $0xFFFF;
	s2 =	simm.s32 @!p0 $0x1C04  }
0x184: {  	[timem:s3], [sflag:s2] =	dma.local @!p0 [hbm:s0], s1  }
0x185: {  	s0 =	simm.s32 @!p0 $0x4  }
0x186: {  	_ =	swait.ge @!p0 [sflag:s0], s1  }
0x187: {  	s1 =	ssub.s32 @!p0 $0x0, s1;
	[sflag:s0] =	ssyncset.done @!p0 $0x0  }
0x188: {  	[sflag:s0] =	ssyncadd.s32 @!p0 s1  }
0x189: {  	[bflag:$0x3] =	sbarrier.arrive $0xFFFF  }
0x18a: {  	_ =	shalt  }

// kernel: sparse-core-data-format-call.cloned.1.call-start
scs
called_computation_lowered:
.L_overlay_start_0:
0x0: {  	s2 =	sld [smem:$0x3FD9]  }
0x1: {  	s3 =	sld [smem:$0x3FFE];
	_ =	sdelay $0x1  }
0x2: {  	s1 =	srdreg.scid  }
0x3: {  	s0 =	sand.u32 $0x1, s1  }
0x4: {  	s18 =	sshll.u32 s0, $0xA;
	s2 =	sadd.s32 s3, s2  }
0x5: {  	s2 =	sadd.s32 s2, s18  }
0x6: {  	[smem:$0x3FC6] =	sst s2  }
0x7: {  	_ = 	snop  }
0x8: {  	s2 =	sld [smem:$0x3FD0];
	(tm) =	ssettm $0x1  }
0x9: {  	s19 =	sld [smem:$0x3FFB];
	_ =	sdelay $0x3  }
0xa: {  	_ =	strace s19  }
0xb: {  	s3 =	sld [smem:$0x3FFC];
	_ =	sdelay $0x3  }
0xc: {  	_ =	strace s3  }
0xd: {  	s3 =	sld [smem:$0x3FFD];
	_ =	sdelay $0x3  }
0xe: {  	_ =	strace s3  }
0xf: {  	_ =	strace $0x8FFFFFFF  }
0x10: {  	s20 =	sld [smem:$0x3FDB];
	_ =	sdelay $0x1  }
0x11: {  	s4 =	simm.s32 $_scs_section_size  }
0x12: {  	s5 =	simm.s32 $_size__tile_overlayer_lowered;
	s6 =	simm.s32 $_tile_overlayer_lowered  }
0x13: {  	s23 =	simm.s32 $0x1BFF;
	s22 =	sshll.u32 s6, $0x1;
	s3 =	sadd.s32 s4, s20  }
0x14: {  	s7 =	simm.s32 $0x0;
	s21 =	sshll.u32 s5, $0x1;
	s5 =	sadd.s32 s22, s3  }
0x15: {  	[timem:s7], [sflag:s23] =	dma.local [hbm:s5], s21  }
0x16: {  	_ =	swait.ge [sflag:s23], s21  }
0x17: {  	s4 =	ssub.s32 $0x0, s21;
	[sflag:s23] =	ssyncset.done $0x0  }
0x18: {  	[sflag:s23] =	ssyncadd.s32 s4;
	_ =	sdelay $0x1  }
0x19: {  	s24 =	simm.s32 $0x1B8B  }
0x1a: {  	_ =	swait.ge [sflag:s24], $0x1  }
0x1b: {  	[sflag:s24] =	ssyncset.done $0x0  }
0x1c: {  	s26 =	simm.s32 $0x1B8E;
	s25 =	sld [smem:$0x3FFE];
	[sflag:s24] =	ssyncadd.s32 $0xFFFFFFFF  }
0x1d: {  	s27 =	simm.s32 $execute0_lowered;
	[smem:$0x3FD2] =	sst s26  }
0x1e: {  	s5 =	sshll.u32 s27, $0x1;
	_ =	strace $0x80000049;
	[dreg:$0x1] =	wrdreg $0xFFFFFFFF  }
0x1f: {  	s28 =	simm.s32 $_size_execute0_lowered;
	s3 =	sadd.s32 s3, s5;
	[dreg:$0x0] =	wrdreg $0x0  }
0x20: {  	s5 =	sshll.u32 s28, $0x1;
	[dreg:$0x2] =	wrdreg s3  }
0x21: {  	[dreg:$0x3] =	wrdreg s5  }
0x22: {  	[dreg:$0x4] =	wrdreg $0xC0  }
0x23: {  	_ =	task [dreg:s7], $0x5FFFF  }
0x24: {  	[dreg:$0x1] =	wrdreg $0xFFFFFFFF  }
0x25: {  	[dreg:$0x0] =	wrdreg $0x60  }
0x26: {  	[dreg:$0x2] =	wrdreg s25  }
0x27: {  	[dreg:$0x3] =	wrdreg s2  }
0x28: {  	[dreg:$0x4] =	wrdreg $0x9  }
0x29: {  	_ =	task.clear_ibuf [dreg:s7], $0x5FFFF;
	_ =	strace $0x90000049  }
0x2a: {  	s29 =	simm.s32 $0x9;
	_ =	strace $0x8000004B  }
0x2b: {  	_ =	swait.ge [sflag:s29], $0x1  }
0x2c: {  	[sflag:s29] =	ssyncadd.s32 $0xFFFFFFFF  }
0x2d: {  	_ =	strace $0x9000004B  }
0x2e: {  	_ =	sfence  }
0x2f: {  	s30 =	sld [smem:$0x0];
	_ =	sdelay $0x2  }
0x30: {  	s31 =	sshll.u32 s1, $0xD;
	s1 =	sshrl.u32 s1, $0x2  }
0x31: {  	s3 =	sand.u32 $0x4000, s31;
	s1 =	sadd.s32 s1, s30  }
0x32: {  	s0 =	sor.u32 s3, s0;
	s1 =	sshll.u32 s1, $0x11  }
0x33: {  	s0 =	sor.u32 s1, s0  }
0x34: {  	s0 =	sadd.s32 $0x8F2B, s0  }
0x35: {  	[sflag:s0] =	ssyncadd.remote.s32 $0x1  }
0x36: {  	_ =	sfence.sel $0xFFFF  }
0x37: {  	[dreg:$0x0] =	wrdreg $0xFFFFFFFF;
	(pc) =	sbr.abs _section_cstart, $3  }
0x38: {  	[dreg:$0x1] =	wrdreg $0xFFFFFFFF  }
0x39: {  	_ =	task.clear_ibuf [dreg:s7], $0x2FFFF;
	_ =	strace $0x9FFFFFFF  }
0x3a: {  	(tm) =	ssettm $0x7FFFFFFF  }
0x3b: {  	_ =	shalt  }
tec
execute0_lowered:
.L_overlay_start_1:
0x0: {  	(tag) =	ssettag $0x1  }
0x1: {  	s0 =	srdreg.scid  }
0x2: {  	s1 =	sshll.u32 s0, $0x4  }
0x3: {  	s0 =	stileid.u32;
	s1 =	sand.u32 $0x10, s1  }
0x4: {  	s1 =	sor.u32 s0, s1  }
0x5: {  	s6 =	rddreg [dreg:$0x0];
	s4 =	simm.s32 $0x1;
	s2 =	sshll.u32 s1, $0x7  }
0x6: {  	s7 =	simm.s32 $0x2;
	s12 =	simm.s32 $0x0;
	s1 =	ssub.s32 $0x4000, s2  }
0x7: {  	s8 =	simm.s32 $0x20000;
	s13 =	simm.s32 $0x0;
	s3 =	sand.u32 $0xF80, s1  }
0x8: {  	s9 =	simm.s32 $0x0;
	s5 =	sshrl.u32 s1, $0xC;
	p0 =	sne.s32 s3, $0x0  }
.Ltmp0:
0x9: {  	s1 =	rddreg [dreg:$0x2];
	s4 =	simm.s32 @!p0 $0x0;
	(pc) =	sbr.rel .LBB1_1-.Ltmp0, $4  }
0xa: {  	s11 =	simm.s32 $0x0;
	s3 =	rddreg [dreg:$0x1];
	s5 =	sadd.s32 s4, s5  }
0xb: {  	_ =	strace $0x8000004A;
	s4 =	simm.s32 $0x1;
	s5 =	smul.u32 $0xC8, s5  }
0xc: {  	s6 =	sadd.s32 $0x800, s6;
	s10 =	smov.u32 s2;
	[sflag:s4] =	ssyncpa.u1 $0x0  }
0xd: {  	p0 =	por $0x0, $0x0;
	[sflag:s7] =	ssyncpa.u1 $0x0;
	s7 =	sor.u32 $0x1, s5  }
.LBB1_4:
0xe: {  	s16 =	sshll.u32 s13, $0x3;
	s17 =	sand.u32 $0x78, s13  }
0xf: {  	s30 =	sand.u32 $0xF800, s13;
	s12 =	sshll.u32 s12, $0x10;
	s16 =	sand.u32 $0x3C00, s16  }
0x10: {  	s31 =	sand.u32 $0x7, s13;
	s16 =	sor.u32 s17, s16;
	s17 =	sadd.s32 s3, s30  }
0x11: {  	s13 =	sshll.u32 s31, $0x12;
	s16 =	sshrl.u32 s16, $0x3;
	s12 =	sadd.s32 s12, s17  }
0x12: {  	[tilespmem:s15+$0x0 ss:$0x81] =	vst.msk $0xffff, v0;
	s13 =	sor.u32 $0x400, s13;
	s12 =	sadd.s32 s16, s12  }
0x13: {  	[hbm4b:s12+s13] =	stream.strided.scatter [tilespmem:s14], [sflag:$0x2], $0x1000, s8, s13, $0x20;
	[tilespmem:$0x4040] =	vst v63  }
.LBB1_5:
0x14: {  	s14 =	sadd.s32 $0x1, s9  }
0x15: {  	s12 =	sadd.s32 $0x1000, s10;
	s16 =	smov.u32 s10;
	p2 =	sgt.s32 s14, $0xC7  }
0x16: {  	s16 =	smov.u32 @p2 s12  }
0x17: {  	s14 =	simm.s32 @p2 $0x0;
	p2 =	sgt.s32 s16, $0x3FFF  }
0x18: {  	s16 =	smov.u32 @p2 s2;
	p2 =	sne.s32 s11, s7  }
.Ltmp1:
0x19: {  	p1 =	slt.u32 s11, $0x2;
	(pc) =	sbr.rel @!p2 .LBB1_6-.Ltmp1, $4  }
0x1a: {  	s15 =	simm.s32 @!p1 $0x2  }
0x1b: {  	s13 =	smov.u32 s10;
	p0 =	por !p0, !p0;
	_ =	swait.ge @!p1 [sflag:s15], $0x1000  }
0x1c: {  	s12 =	smov.u32 s9;
	[sflag:s15] =	ssyncset.done @!p1 $0x0;
	s9 =	smov.u32 s14  }
0x1d: {  	s11 =	sadd.s32 $0x1, s11;
	[sflag:s15] =	ssyncadd.s32 @!p1 $0xFFFFF000;
	s10 =	smov.u32 s16  }
.LBB1_1:
0x1e: {  	p1 =	sge.u32 s11, s5  }
0x1f: {  	s14 =	sand.u32 @!p1 $0x1FFFFFF, s9  }
0x20: {  	s15 =	smulhi.u32 @!p1 $0x147AE15, s14;
	_ =	sdelay $0x1  }
0x21: {  	s15 =	smul.u32 @!p1 $0xC8, s15  }
0x22: {  	s16 =	sxor.u32 @!p1 $0xFFFFFFFF, s11;
	s17 =	smul.u32 @!p1 $0xC80, s10  }
0x23: {  	s31 =	sadd.s32 $0xFFFFFFFF, s11;
	s16 =	sshll.u32 @!p1 s16, $0xC;
	s14 =	ssub.s32 @!p1 s14, s15  }
0x24: {  	s15 =	sand.u32 @!p1 $0x1000, s16;
	s16 =	sadd.s32 @!p1 s6, s17;
	s14 =	sshll.u32 @!p1 s14, $0x4  }
0x25: {  	s17 =	simm.s32 @!p1 $0x6400;
	s14 =	sadd.s32 @!p1 s14, s16;
	s16 =	simm.s32 @!p1 $0x20  }
0x26: {  	[tilespmem:s15], [sflag:$0x1] =	stream.strided.gather @!p1 [hbm4b:s14+s16], $0x1000, s17, s16, $0x38;
	[tilespmem:$0x4040] =	vst v63  }
0x27: {  	p1 =	sge.u32 s31, s5  }
.Ltmp2:
0x28: {  	_ = 	snop;
	(pc) =	sbr.rel @p1 .LBB1_5-.Ltmp2, $1  }
0x29: {  	_ =	sdelay $0x3  }
0x2a: {  	s14 =	simm.s32 $0x1  }
0x2b: {  	_ =	swait.ge [sflag:s4], $0x1000;
	s14 =	simm.s32 @!p0 $0x0  }
0x2c: {  	[sflag:s4] =	ssyncset.done $0x0;
	s15 =	sshll.u32 s14, $0xC  }
0x2d: {  	[sflag:s4] =	ssyncadd.s32 $0xFFFFF000;
	s18 =	sor.u32 $0x10, s15  }
0x2e: {  	s14 =	smul.u32 $0x4080, s14;
	v1 =	vld [tilespmem:s18+$0x0]  }
0x2f: {  	s30 =	sand.u32 $0x1, s11;
	v0 =	vld [tilespmem:s18+$0xFFFFFFF0]  }
0x30: {  	s15 =	smul.u32 $0x4080, s30;
	s14 =	sshrl.u32 s14, $0x2  }
0x31: {  	s16 =	sor.u32 $0x2000, s14  }
0x32: {  	s31 =	sshrl.u32 s15, $0x2;
	s15 =	sadd.s32 $0x0, s16  }
0x33: {  	s17 =	simm.s32 $0x4;
	s18 =	sadd.s32 $0x20, s18;
	s14 =	sor.u32 $0x2000, s31;
	[tilespmem:s15+$0x810 ss:$0x81] =	vst.msk $0xffff, v1  }
.LBB1_3:
0x34: {  	v1 =	vld [tilespmem:s18+$0x0];
	p1 =	sne.s32 s17, $0x1FC;
	[tilespmem:s15+$0x0 ss:$0x81] =	vst.msk $0xffff, v0;
	s15 =	smov.u32 s17;
	s17 =	sadd.s32 $0x4, s17  }
.Ltmp3:
0x35: {  	v0 =	vld [tilespmem:s18+$0xFFFFFFF0];
	(pc) =	sbr.rel @p1 .LBB1_3-.Ltmp3, $4  }
0x36: {  	_ = 	snop  }
0x37: {  	s15 =	sshra.s32 s15, $0x2  }
0x38: {  	s15 =	sadd.s32 s15, s16  }
0x39: {  	s18 =	sadd.s32 $0x20, s18;
	[tilespmem:s15+$0x810 ss:$0x81] =	vst.msk $0xffff, v1  }
.Ltmp4:
0x3a: {  	_ = 	snop;
	(pc) =	sbr.rel .LBB1_4-.Ltmp4, $1  }
0x3b: {  	_ =	sdelay $0x3  }
.LBB1_6:
0x3c: {  	_ =	sfence.sel $0x180000  }
0x3d: {  	s2 =	simm.s32 $0x1;
	[bflag:$0x0] =	sbarrier.arrive $0xFFFF  }
0x3e: {  	s31 =	simm.s32 $0x2;
	[sflag:s2] =	ssyncpa.u1 $0x1  }
0x3f: {  	[sflag:s31] =	ssyncpa.u1 $0x1  }
0x40: {  	p0 =	sne.s32 s0, $0x0;
	_ =	strace $0x9000004A  }
0x41: {  	s0 =	sadd.s32 @!p0 $0x100000, s1;
	[bflag:$0x2] =	sbarrier.arrive $0xFFFF  }
0x42: {  	[sflag:s0] =	ssyncadd.tile.s32 @!p0 $0x1;
	_ =	shalt  }
.Lfunc_end1:
_tile_overlayer_lowered:
.L_overlay_start_2:
0x43: {  	(tag) =	ssettag $0x2  }
0x44: {  	s0 =	rddreg [dreg:$0x0];
	s2 =	stileid.u32  }
0x45: {  	s1 =	rddreg [dreg:$0x1];
	p0 =	sne.s32 s2, $0x0  }
0x46: {  	s3 =	rddreg [dreg:$0x2];
	[bflag:$0x3] =	sbarrier.arrive $0xFFFF;
	s2 =	simm.s32 @!p0 $0x1C01  }
0x47: {  	[timem:s3], [sflag:s2] =	dma.local @!p0 [hbm:s0], s1  }
0x48: {  	s0 =	simm.s32 @!p0 $0x1  }
0x49: {  	_ =	swait.ge @!p0 [sflag:s0], s1  }
0x4a: {  	s1 =	ssub.s32 @!p0 $0x0, s1;
	[sflag:s0] =	ssyncset.done @!p0 $0x0  }
0x4b: {  	[sflag:s0] =	ssyncadd.s32 @!p0 s1  }
0x4c: {  	[bflag:$0x3] =	sbarrier.arrive $0xFFFF  }
0x4d: {  	_ =	shalt  }

</sc_bundles>
